<compile_context>
chip_gen: v7x
topology: tpu7x:2x2x1
jax: 0.10.2.dev20260603
libtpu: 0.0.44.dev20260713+nightly
codegen_flags: <defaults>
</compile_context>

<pallas_src>
import functools

import jax
import jax.numpy as jnp
from jax import lax
from jax.experimental import pallas as pl
from jax.experimental.pallas import tpu as pltpu
from jax.experimental.pallas import tpu_sc as plsc

BATCH = 16384
HIST = 200
EMBED_DIM = 64
PADDED_DIM = 128
NUM_WORKERS = 32
GB = 4
GROUP = GB * HIST
CHUNKS = [(i * 128, 128) for i in range(GROUP // 128)]
if GROUP % 128:
    CHUNKS.append((GROUP - GROUP % 128, GROUP % 128))


def _gather_rows(table, idx):
    batches_per_w = BATCH // NUM_WORKERS
    num_groups = batches_per_w // GB
    num_pairs = num_groups // 2

    @functools.partial(
        pl.kernel,
        out_type=jax.ShapeDtypeStruct((BATCH, HIST, PADDED_DIM), jnp.float32),
        mesh=plsc.VectorSubcoreMesh(
            core_axis_name="c", subcore_axis_name="s"
        ),
        scratch_types=[
            pltpu.VMEM((GROUP,), jnp.int32),
            pltpu.VMEM((GROUP,), jnp.int32),
            pltpu.VMEM((GB, HIST, EMBED_DIM), jnp.float32),
            pltpu.VMEM((GB, HIST, EMBED_DIM), jnp.float32),
            pltpu.SemaphoreType.DMA,
            pltpu.SemaphoreType.DMA,
            pltpu.SemaphoreType.DMA,
            pltpu.SemaphoreType.DMA,
            pltpu.SemaphoreType.DMA,
            pltpu.SemaphoreType.DMA,
        ],
        compiler_params=pltpu.CompilerParams(use_tc_tiling_on_sc=False),
    )
    def k(table_hbm, idx_hbm, out_hbm,
          idx0, idx1, rows0, rows1,
          gsem0, gsem1, ssem0, ssem1, isem0, isem1):
        wid = lax.axis_index("s") * 2 + lax.axis_index("c")
        base = wid * batches_per_w

        def fire_idx(idx_v, sem, gbatch):
            pltpu.async_copy(
                idx_hbm.at[pl.ds(gbatch * HIST, GROUP)], idx_v, sem
            )

        def idx_wait(idx_v, sem, gbatch):
            pltpu.make_async_copy(
                idx_hbm.at[pl.ds(gbatch * HIST, GROUP)], idx_v, sem
            ).wait()

        def fire_gathers(idx_v, rows_v, sem):
            for b in range(GB):
                for r, n in ((0, 128), (128, 72)):
                    pltpu.async_copy(
                        table_hbm.at[idx_v.at[pl.ds(b * HIST + r, n)]],
                        rows_v.at[b, pl.ds(r, n)],
                        sem,
                    )

        def drain_gathers(idx_v, rows_v, sem):
            for b in range(GB):
                for r, n in ((0, 128), (128, 72)):
                    pltpu.make_async_copy(
                        table_hbm.at[idx_v.at[pl.ds(b * HIST + r, n)]],
                        rows_v.at[b, pl.ds(r, n)],
                        sem,
                    ).wait()

        def fire_stores(rows_v, sem, gbatch):
            pltpu.async_copy(
                rows_v,
                out_hbm.at[pl.ds(gbatch, GB), pl.ds(0, HIST),
                           pl.ds(0, EMBED_DIM)],
                sem,
            )

        def store_wait(rows_v, sem, gbatch):
            pltpu.make_async_copy(
                rows_v,
                out_hbm.at[pl.ds(gbatch, GB), pl.ds(0, HIST),
                           pl.ds(0, EMBED_DIM)],
                sem,
            ).wait()

        fire_idx(idx0, isem0, base)
        fire_idx(idx1, isem1, base + GB)
        idx_wait(idx0, isem0, base)
        fire_gathers(idx0, rows0, gsem0)

        def body(h, _):
            g0 = base + (2 * h) * GB
            g1 = g0 + GB
            g2 = g1 + GB
            g3 = g2 + GB

            @pl.when(h > 0)
            def _():
                store_wait(rows1, ssem1, g1 - 2 * GB)

            idx_wait(idx1, isem1, g1)
            fire_gathers(idx1, rows1, gsem1)

            drain_gathers(idx0, rows0, gsem0)
            fire_stores(rows0, ssem0, g0)

            @pl.when(h < num_pairs - 1)
            def _():
                fire_idx(idx0, isem0, g2)
                store_wait(rows0, ssem0, g0)
                idx_wait(idx0, isem0, g2)
                fire_gathers(idx0, rows0, gsem0)

            drain_gathers(idx1, rows1, gsem1)

            @pl.when(h < num_pairs - 1)
            def _():
                fire_idx(idx1, isem1, g3)

            fire_stores(rows1, ssem1, g1)
            return 0

        lax.fori_loop(0, num_pairs, body, 0)

        last = base + (num_groups - 2) * GB
        store_wait(rows0, ssem0, last)
        store_wait(rows1, ssem1, last + GB)

    return k(table, idx)


def kernel(x, table):
    idx_flat = x.reshape(-1).astype(jnp.int32)
    out = _gather_rows(table, idx_flat)
    return out[:, :, :EMBED_DIM]

# --- scband reference (transcript-rebuilt; emitter-appended) ---
"""Pipeline reference for scband-encoder-996432413397 (READ-ONLY COPY).

The authoritative reference and input builder live on the scoring server;
editing this copy changes nothing except your own understanding.
"""

import jax, jax.numpy as jnp
import numpy as np

VOCAB = 100000
EMBED_DIM = 64
BATCH = 16384
HIST = 200

def setup_inputs(seed: int = 0) -> dict:
    key = jax.random.key(seed)
    k1, k2 = jax.random.split(key)
    x = jax.random.randint(k1, (BATCH, HIST), 0, VOCAB, dtype=jnp.int64)
    # nn.Embedding default init: N(0, 1)
    table = jax.random.normal(k2, (VOCAB, EMBED_DIM), dtype=jnp.float32)
    return {"x": x, "table": table}

def reference(x, table):
    # Encoder.forward: x = self.embed(x)
    return jnp.take(table, x, axis=0)

if __name__ == "__main__":
    import jax
    _d = setup_inputs()
    print(jax.jit(kernel)(*tuple(_d.values())))

</pallas_src>

<mosaic_0001>
#map = affine_map<(d0, d1) -> (0, 0)>
#map1 = affine_map<(d0, d1) -> (0)>
#map2 = affine_map<(d0, d1) -> (0, 0, 0)>
module attributes {stable_mosaic.version = 14 : i64} {
  func.func @k(%arg0: i32, %arg1: i32, %arg2: memref<100000x64xf32, #tpu.memory_space<hbm>>, %arg3: memref<3276800xi32, #tpu.memory_space<hbm>>, %arg4: memref<16384x200x128xf32, #tpu.memory_space<hbm>>, %arg5: memref<800xi32, #tpu.memory_space<vmem>>, %arg6: memref<800xi32, #tpu.memory_space<vmem>>, %arg7: memref<4x200x64xf32, #tpu.memory_space<vmem>>, %arg8: memref<4x200x64xf32, #tpu.memory_space<vmem>>, %arg9: memref<!tpu.dma_semaphore, #tpu.memory_space<semaphore_mem>>, %arg10: memref<!tpu.dma_semaphore, #tpu.memory_space<semaphore_mem>>, %arg11: memref<!tpu.dma_semaphore, #tpu.memory_space<semaphore_mem>>, %arg12: memref<!tpu.dma_semaphore, #tpu.memory_space<semaphore_mem>>, %arg13: memref<!tpu.dma_semaphore, #tpu.memory_space<semaphore_mem>>, %arg14: memref<!tpu.dma_semaphore, #tpu.memory_space<semaphore_mem>>) attributes {dimension_semantics = [#tpu.dimension_semantics<core_parallel>, #tpu.dimension_semantics<subcore_parallel>], iteration_bounds = array<i64: 2, 16>, scalar_prefetch = 0 : i64, scratch_operands = 10 : i64, tpu.core_type = #tpu.core_type<sc_vector_subcore>, window_params = [{transform_indices = #map}, {transform_indices = #map1}, {transform_indices = #map2}]} {
    %mul3A = arith.constant 2 : i32
    %mul3A_0 = arith.muli %arg1, %mul3A : i32
    %add3A = arith.addi %mul3A_0, %arg0 : i32
    %mul3A_1 = arith.constant 512 : i32
    %mul3A_2 = arith.muli %add3A, %mul3A_1 : i32
    %mul3A_3 = arith.constant 200 : i32
    %mul3A_4 = arith.muli %mul3A_2, %mul3A_3 : i32
    %dma_start3A = tpu.memref_slice %arg3[%mul3A_4] : memref<3276800xi32, #tpu.memory_space<hbm>> -> memref<800xi32, #tpu.memory_space<hbm>>
    %dma_start3A_5 = tpu.memref_slice %arg3[%mul3A_4] : memref<3276800xi32, #tpu.memory_space<hbm>> -> memref<800xi32, #tpu.memory_space<hbm>>
    tpu.enqueue_dma source(%dma_start3A_5 : memref<800xi32, #tpu.memory_space<hbm>>) target(%arg5 : memref<800xi32, #tpu.memory_space<vmem>>) target_semaphore(%arg13 : memref<!tpu.dma_semaphore, #tpu.memory_space<semaphore_mem>>)
    %add3A_6 = arith.constant 4 : i32
    %add3A_7 = arith.addi %mul3A_2, %add3A_6 : i32
    %mul3A_8 = arith.constant 200 : i32
    %mul3A_9 = arith.muli %add3A_7, %mul3A_8 : i32
    %dma_start3A_10 = tpu.memref_slice %arg3[%mul3A_9] : memref<3276800xi32, #tpu.memory_space<hbm>> -> memref<800xi32, #tpu.memory_space<hbm>>
    %dma_start3A_11 = tpu.memref_slice %arg3[%mul3A_9] : memref<3276800xi32, #tpu.memory_space<hbm>> -> memref<800xi32, #tpu.memory_space<hbm>>
    tpu.enqueue_dma source(%dma_start3A_11 : memref<800xi32, #tpu.memory_space<hbm>>) target(%arg6 : memref<800xi32, #tpu.memory_space<vmem>>) target_semaphore(%arg14 : memref<!tpu.dma_semaphore, #tpu.memory_space<semaphore_mem>>)
    %mul3A_12 = arith.constant 200 : i32
    %mul3A_13 = arith.muli %mul3A_2, %mul3A_12 : i32
    %dma_wait3A = tpu.memref_slice %arg3[%mul3A_13] : memref<3276800xi32, #tpu.memory_space<hbm>> -> memref<800xi32, #tpu.memory_space<hbm>>
    %dma_wait3A_14 = tpu.memref_slice %arg3[%mul3A_13] : memref<3276800xi32, #tpu.memory_space<hbm>> -> memref<800xi32, #tpu.memory_space<hbm>>
    tpu.wait_dma2 semaphore(%arg13 : memref<!tpu.dma_semaphore, #tpu.memory_space<semaphore_mem>>) src(%dma_wait3A_14 : memref<800xi32, #tpu.memory_space<hbm>>) dst(%arg5 : memref<800xi32, #tpu.memory_space<vmem>>)
    %dma_start3A_15 = arith.constant 0 : i32
    %dma_start3A_16 = arith.constant 0 : i32
    %dma_start3A_17 = arith.constant 0 : i32
    %dma_start3A_18 = tpu.memref_slice %arg7[%dma_start3A_15, %dma_start3A_16, %dma_start3A_17] : memref<4x200x64xf32, #tpu.memory_space<vmem>> -> memref<1x128x64xf32, #tpu.memory_space<vmem>>
    %dma_start3A_19 = tpu.memref_squeeze %dma_start3A_18 : memref<1x128x64xf32, #tpu.memory_space<vmem>> -> memref<128x64xf32, #tpu.memory_space<vmem>>
    %dma_start3A_20 = arith.constant 0 : i32
    %dma_start3A_21 = tpu.memref_slice %arg5[%dma_start3A_20] : memref<800xi32, #tpu.memory_space<vmem>> -> memref<128xi32, #tpu.memory_space<vmem>>
    %dma_start3A_22 = arith.constant 0 : i32
    %dma_start3A_23 = arith.constant 0 : i32
    %dma_start3A_24 = tpu.memref_slice %arg2[%dma_start3A_22, %dma_start3A_23] : memref<100000x64xf32, #tpu.memory_space<hbm>> -> memref<100000x64xf32, #tpu.memory_space<hbm>>
    tpu.enqueue_indirect_dma source(%dma_start3A_24 : memref<100000x64xf32, #tpu.memory_space<hbm>>) target(%dma_start3A_19 : memref<128x64xf32, #tpu.memory_space<vmem>>) offsets(%dma_start3A_21 : memref<128xi32, #tpu.memory_space<vmem>>) semaphore(%arg9 : memref<!tpu.dma_semaphore, #tpu.memory_space<semaphore_mem>>)
    %dma_start3A_25 = arith.constant 0 : i32
    %dma_start3A_26 = arith.constant 128 : i32
    %dma_start3A_27 = arith.constant 0 : i32
    %dma_start3A_28 = tpu.memref_slice %arg7[%dma_start3A_25, %dma_start3A_26, %dma_start3A_27] : memref<4x200x64xf32, #tpu.memory_space<vmem>> -> memref<1x72x64xf32, #tpu.memory_space<vmem>>
    %dma_start3A_29 = tpu.memref_squeeze %dma_start3A_28 : memref<1x72x64xf32, #tpu.memory_space<vmem>> -> memref<72x64xf32, #tpu.memory_space<vmem>>
    %dma_start3A_30 = arith.constant 128 : i32
    %dma_start3A_31 = tpu.memref_slice %arg5[%dma_start3A_30] : memref<800xi32, #tpu.memory_space<vmem>> -> memref<72xi32, #tpu.memory_space<vmem>>
    %dma_start3A_32 = arith.constant 0 : i32
    %dma_start3A_33 = arith.constant 0 : i32
    %dma_start3A_34 = tpu.memref_slice %arg2[%dma_start3A_32, %dma_start3A_33] : memref<100000x64xf32, #tpu.memory_space<hbm>> -> memref<100000x64xf32, #tpu.memory_space<hbm>>
    tpu.enqueue_indirect_dma source(%dma_start3A_34 : memref<100000x64xf32, #tpu.memory_space<hbm>>) target(%dma_start3A_29 : memref<72x64xf32, #tpu.memory_space<vmem>>) offsets(%dma_start3A_31 : memref<72xi32, #tpu.memory_space<vmem>>) semaphore(%arg9 : memref<!tpu.dma_semaphore, #tpu.memory_space<semaphore_mem>>)
    %dma_start3A_35 = arith.constant 1 : i32
    %dma_start3A_36 = arith.constant 0 : i32
    %dma_start3A_37 = arith.constant 0 : i32
    %dma_start3A_38 = tpu.memref_slice %arg7[%dma_start3A_35, %dma_start3A_36, %dma_start3A_37] : memref<4x200x64xf32, #tpu.memory_space<vmem>> -> memref<1x128x64xf32, #tpu.memory_space<vmem>>
    %dma_start3A_39 = tpu.memref_squeeze %dma_start3A_38 : memref<1x128x64xf32, #tpu.memory_space<vmem>> -> memref<128x64xf32, #tpu.memory_space<vmem>>
    %dma_start3A_40 = arith.constant 200 : i32
    %dma_start3A_41 = tpu.memref_slice %arg5[%dma_start3A_40] : memref<800xi32, #tpu.memory_space<vmem>> -> memref<128xi32, #tpu.memory_space<vmem>>
    %dma_start3A_42 = arith.constant 0 : i32
    %dma_start3A_43 = arith.constant 0 : i32
    %dma_start3A_44 = tpu.memref_slice %arg2[%dma_start3A_42, %dma_start3A_43] : memref<100000x64xf32, #tpu.memory_space<hbm>> -> memref<100000x64xf32, #tpu.memory_space<hbm>>
    tpu.enqueue_indirect_dma source(%dma_start3A_44 : memref<100000x64xf32, #tpu.memory_space<hbm>>) target(%dma_start3A_39 : memref<128x64xf32, #tpu.memory_space<vmem>>) offsets(%dma_start3A_41 : memref<128xi32, #tpu.memory_space<vmem>>) semaphore(%arg9 : memref<!tpu.dma_semaphore, #tpu.memory_space<semaphore_mem>>)
    %dma_start3A_45 = arith.constant 1 : i32
    %dma_start3A_46 = arith.constant 128 : i32
    %dma_start3A_47 = arith.constant 0 : i32
    %dma_start3A_48 = tpu.memref_slice %arg7[%dma_start3A_45, %dma_start3A_46, %dma_start3A_47] : memref<4x200x64xf32, #tpu.memory_space<vmem>> -> memref<1x72x64xf32, #tpu.memory_space<vmem>>
    %dma_start3A_49 = tpu.memref_squeeze %dma_start3A_48 : memref<1x72x64xf32, #tpu.memory_space<vmem>> -> memref<72x64xf32, #tpu.memory_space<vmem>>
    %dma_start3A_50 = arith.constant 328 : i32
    %dma_start3A_51 = tpu.memref_slice %arg5[%dma_start3A_50] : memref<800xi32, #tpu.memory_space<vmem>> -> memref<72xi32, #tpu.memory_space<vmem>>
    %dma_start3A_52 = arith.constant 0 : i32
    %dma_start3A_53 = arith.constant 0 : i32
    %dma_start3A_54 = tpu.memref_slice %arg2[%dma_start3A_52, %dma_start3A_53] : memref<100000x64xf32, #tpu.memory_space<hbm>> -> memref<100000x64xf32, #tpu.memory_space<hbm>>
    tpu.enqueue_indirect_dma source(%dma_start3A_54 : memref<100000x64xf32, #tpu.memory_space<hbm>>) target(%dma_start3A_49 : memref<72x64xf32, #tpu.memory_space<vmem>>) offsets(%dma_start3A_51 : memref<72xi32, #tpu.memory_space<vmem>>) semaphore(%arg9 : memref<!tpu.dma_semaphore, #tpu.memory_space<semaphore_mem>>)
    %dma_start3A_55 = arith.constant 2 : i32
    %dma_start3A_56 = arith.constant 0 : i32
    %dma_start3A_57 = arith.constant 0 : i32
    %dma_start3A_58 = tpu.memref_slice %arg7[%dma_start3A_55, %dma_start3A_56, %dma_start3A_57] : memref<4x200x64xf32, #tpu.memory_space<vmem>> -> memref<1x128x64xf32, #tpu.memory_space<vmem>>
    %dma_start3A_59 = tpu.memref_squeeze %dma_start3A_58 : memref<1x128x64xf32, #tpu.memory_space<vmem>> -> memref<128x64xf32, #tpu.memory_space<vmem>>
    %dma_start3A_60 = arith.constant 400 : i32
    %dma_start3A_61 = tpu.memref_slice %arg5[%dma_start3A_60] : memref<800xi32, #tpu.memory_space<vmem>> -> memref<128xi32, #tpu.memory_space<vmem>>
    %dma_start3A_62 = arith.constant 0 : i32
    %dma_start3A_63 = arith.constant 0 : i32
    %dma_start3A_64 = tpu.memref_slice %arg2[%dma_start3A_62, %dma_start3A_63] : memref<100000x64xf32, #tpu.memory_space<hbm>> -> memref<100000x64xf32, #tpu.memory_space<hbm>>
    tpu.enqueue_indirect_dma source(%dma_start3A_64 : memref<100000x64xf32, #tpu.memory_space<hbm>>) target(%dma_start3A_59 : memref<128x64xf32, #tpu.memory_space<vmem>>) offsets(%dma_start3A_61 : memref<128xi32, #tpu.memory_space<vmem>>) semaphore(%arg9 : memref<!tpu.dma_semaphore, #tpu.memory_space<semaphore_mem>>)
    %dma_start3A_65 = arith.constant 2 : i32
    %dma_start3A_66 = arith.constant 128 : i32
    %dma_start3A_67 = arith.constant 0 : i32
    %dma_start3A_68 = tpu.memref_slice %arg7[%dma_start3A_65, %dma_start3A_66, %dma_start3A_67] : memref<4x200x64xf32, #tpu.memory_space<vmem>> -> memref<1x72x64xf32, #tpu.memory_space<vmem>>
    %dma_start3A_69 = tpu.memref_squeeze %dma_start3A_68 : memref<1x72x64xf32, #tpu.memory_space<vmem>> -> memref<72x64xf32, #tpu.memory_space<vmem>>
    %dma_start3A_70 = arith.constant 528 : i32
    %dma_start3A_71 = tpu.memref_slice %arg5[%dma_start3A_70] : memref<800xi32, #tpu.memory_space<vmem>> -> memref<72xi32, #tpu.memory_space<vmem>>
    %dma_start3A_72 = arith.constant 0 : i32
    %dma_start3A_73 = arith.constant 0 : i32
    %dma_start3A_74 = tpu.memref_slice %arg2[%dma_start3A_72, %dma_start3A_73] : memref<100000x64xf32, #tpu.memory_space<hbm>> -> memref<100000x64xf32, #tpu.memory_space<hbm>>
    tpu.enqueue_indirect_dma source(%dma_start3A_74 : memref<100000x64xf32, #tpu.memory_space<hbm>>) target(%dma_start3A_69 : memref<72x64xf32, #tpu.memory_space<vmem>>) offsets(%dma_start3A_71 : memref<72xi32, #tpu.memory_space<vmem>>) semaphore(%arg9 : memref<!tpu.dma_semaphore, #tpu.memory_space<semaphore_mem>>)
    %dma_start3A_75 = arith.constant 3 : i32
    %dma_start3A_76 = arith.constant 0 : i32
    %dma_start3A_77 = arith.constant 0 : i32
    %dma_start3A_78 = tpu.memref_slice %arg7[%dma_start3A_75, %dma_start3A_76, %dma_start3A_77] : memref<4x200x64xf32, #tpu.memory_space<vmem>> -> memref<1x128x64xf32, #tpu.memory_space<vmem>>
    %dma_start3A_79 = tpu.memref_squeeze %dma_start3A_78 : memref<1x128x64xf32, #tpu.memory_space<vmem>> -> memref<128x64xf32, #tpu.memory_space<vmem>>
    %dma_start3A_80 = arith.constant 600 : i32
    %dma_start3A_81 = tpu.memref_slice %arg5[%dma_start3A_80] : memref<800xi32, #tpu.memory_space<vmem>> -> memref<128xi32, #tpu.memory_space<vmem>>
    %dma_start3A_82 = arith.constant 0 : i32
    %dma_start3A_83 = arith.constant 0 : i32
    %dma_start3A_84 = tpu.memref_slice %arg2[%dma_start3A_82, %dma_start3A_83] : memref<100000x64xf32, #tpu.memory_space<hbm>> -> memref<100000x64xf32, #tpu.memory_space<hbm>>
    tpu.enqueue_indirect_dma source(%dma_start3A_84 : memref<100000x64xf32, #tpu.memory_space<hbm>>) target(%dma_start3A_79 : memref<128x64xf32, #tpu.memory_space<vmem>>) offsets(%dma_start3A_81 : memref<128xi32, #tpu.memory_space<vmem>>) semaphore(%arg9 : memref<!tpu.dma_semaphore, #tpu.memory_space<semaphore_mem>>)
    %dma_start3A_85 = arith.constant 3 : i32
    %dma_start3A_86 = arith.constant 128 : i32
    %dma_start3A_87 = arith.constant 0 : i32
    %dma_start3A_88 = tpu.memref_slice %arg7[%dma_start3A_85, %dma_start3A_86, %dma_start3A_87] : memref<4x200x64xf32, #tpu.memory_space<vmem>> -> memref<1x72x64xf32, #tpu.memory_space<vmem>>
    %dma_start3A_89 = tpu.memref_squeeze %dma_start3A_88 : memref<1x72x64xf32, #tpu.memory_space<vmem>> -> memref<72x64xf32, #tpu.memory_space<vmem>>
    %dma_start3A_90 = arith.constant 728 : i32
    %dma_start3A_91 = tpu.memref_slice %arg5[%dma_start3A_90] : memref<800xi32, #tpu.memory_space<vmem>> -> memref<72xi32, #tpu.memory_space<vmem>>
    %dma_start3A_92 = arith.constant 0 : i32
    %dma_start3A_93 = arith.constant 0 : i32
    %dma_start3A_94 = tpu.memref_slice %arg2[%dma_start3A_92, %dma_start3A_93] : memref<100000x64xf32, #tpu.memory_space<hbm>> -> memref<100000x64xf32, #tpu.memory_space<hbm>>
    tpu.enqueue_indirect_dma source(%dma_start3A_94 : memref<100000x64xf32, #tpu.memory_space<hbm>>) target(%dma_start3A_89 : memref<72x64xf32, #tpu.memory_space<vmem>>) offsets(%dma_start3A_91 : memref<72xi32, #tpu.memory_space<vmem>>) semaphore(%arg9 : memref<!tpu.dma_semaphore, #tpu.memory_space<semaphore_mem>>)
    %scan3A = arith.constant 0 : i32
    %scan3A_95 = arith.constant 0 : i32
    %scan3A_96 = arith.constant 64 : i32
    %scan3A_97 = arith.addi %scan3A_95, %scan3A_96 : i32
    %scan3A_98 = arith.constant 1 : i32
    %scan3A_99 = scf.for %scan3A_117 = %scan3A_95 to %scan3A_97 step %scan3A_98 iter_args(%scan3A_118 = %scan3A) -> (i32)  : i32 {
      %mul3A_119 = arith.constant 2 : i32
      %mul3A_120 = arith.muli %mul3A_119, %scan3A_117 : i32
      %mul3A_121 = arith.constant 4 : i32
      %mul3A_122 = arith.muli %mul3A_120, %mul3A_121 : i32
      %add3A_123 = arith.addi %mul3A_2, %mul3A_122 : i32
      %add3A_124 = arith.constant 4 : i32
      %add3A_125 = arith.addi %add3A_123, %add3A_124 : i32
      %add3A_126 = arith.constant 4 : i32
      %add3A_127 = arith.addi %add3A_125, %add3A_126 : i32
      %add3A_128 = arith.constant 4 : i32
      %add3A_129 = arith.addi %add3A_127, %add3A_128 : i32
      %gt3A = arith.constant 0 : i32
      %gt3A_130 = arith.cmpi sgt, %scan3A_117, %gt3A : i32
      %convert_element_type3A = arith.extui %gt3A_130 : i1 to i32
      %cond3A = arith.constant 0 : i32
      %cond3A_131 = arith.cmpi ne, %convert_element_type3A, %cond3A : i32
      scf.if %cond3A_131 {
        %sub3A = arith.constant 8 : i32
        %sub3A_398 = arith.subi %add3A_125, %sub3A : i32
        %dma_wait3A_399 = arith.constant 0 : i32
        %dma_wait3A_400 = arith.constant 0 : i32
        %dma_wait3A_401 = tpu.memref_slice %arg4[%sub3A_398, %dma_wait3A_399, %dma_wait3A_400] : memref<16384x200x128xf32, #tpu.memory_space<hbm>> -> memref<4x200x64xf32, #tpu.memory_space<hbm>>
        %dma_wait3A_402 = arith.constant 0 : i32
        %dma_wait3A_403 = arith.constant 0 : i32
        %dma_wait3A_404 = tpu.memref_slice %arg4[%sub3A_398, %dma_wait3A_402, %dma_wait3A_403] : memref<16384x200x128xf32, #tpu.memory_space<hbm>> -> memref<4x200x64xf32, #tpu.memory_space<hbm>>
        tpu.wait_dma2 semaphore(%arg12 : memref<!tpu.dma_semaphore, #tpu.memory_space<semaphore_mem>>) src(%arg8 : memref<4x200x64xf32, #tpu.memory_space<vmem>>) dst(%dma_wait3A_404 : memref<4x200x64xf32, #tpu.memory_space<hbm>>)
      } else {
      }
      %mul3A_132 = arith.constant 200 : i32
      %mul3A_133 = arith.muli %add3A_125, %mul3A_132 : i32
      %dma_wait3A_134 = tpu.memref_slice %arg3[%mul3A_133] : memref<3276800xi32, #tpu.memory_space<hbm>> -> memref<800xi32, #tpu.memory_space<hbm>>
      %dma_wait3A_135 = tpu.memref_slice %arg3[%mul3A_133] : memref<3276800xi32, #tpu.memory_space<hbm>> -> memref<800xi32, #tpu.memory_space<hbm>>
      tpu.wait_dma2 semaphore(%arg14 : memref<!tpu.dma_semaphore, #tpu.memory_space<semaphore_mem>>) src(%dma_wait3A_135 : memref<800xi32, #tpu.memory_space<hbm>>) dst(%arg6 : memref<800xi32, #tpu.memory_space<vmem>>)
      %dma_start3A_136 = arith.constant 0 : i32
      %dma_start3A_137 = arith.constant 0 : i32
      %dma_start3A_138 = arith.constant 0 : i32
      %dma_start3A_139 = tpu.memref_slice %arg8[%dma_start3A_136, %dma_start3A_137, %dma_start3A_138] : memref<4x200x64xf32, #tpu.memory_space<vmem>> -> memref<1x128x64xf32, #tpu.memory_space<vmem>>
      %dma_start3A_140 = tpu.memref_squeeze %dma_start3A_139 : memref<1x128x64xf32, #tpu.memory_space<vmem>> -> memref<128x64xf32, #tpu.memory_space<vmem>>
      %dma_start3A_141 = arith.constant 0 : i32
      %dma_start3A_142 = tpu.memref_slice %arg6[%dma_start3A_141] : memref<800xi32, #tpu.memory_space<vmem>> -> memref<128xi32, #tpu.memory_space<vmem>>
      %dma_start3A_143 = arith.constant 0 : i32
      %dma_start3A_144 = arith.constant 0 : i32
      %dma_start3A_145 = tpu.memref_slice %arg2[%dma_start3A_143, %dma_start3A_144] : memref<100000x64xf32, #tpu.memory_space<hbm>> -> memref<100000x64xf32, #tpu.memory_space<hbm>>
      tpu.enqueue_indirect_dma source(%dma_start3A_145 : memref<100000x64xf32, #tpu.memory_space<hbm>>) target(%dma_start3A_140 : memref<128x64xf32, #tpu.memory_space<vmem>>) offsets(%dma_start3A_142 : memref<128xi32, #tpu.memory_space<vmem>>) semaphore(%arg10 : memref<!tpu.dma_semaphore, #tpu.memory_space<semaphore_mem>>)
      %dma_start3A_146 = arith.constant 0 : i32
      %dma_start3A_147 = arith.constant 128 : i32
      %dma_start3A_148 = arith.constant 0 : i32
      %dma_start3A_149 = tpu.memref_slice %arg8[%dma_start3A_146, %dma_start3A_147, %dma_start3A_148] : memref<4x200x64xf32, #tpu.memory_space<vmem>> -> memref<1x72x64xf32, #tpu.memory_space<vmem>>
      %dma_start3A_150 = tpu.memref_squeeze %dma_start3A_149 : memref<1x72x64xf32, #tpu.memory_space<vmem>> -> memref<72x64xf32, #tpu.memory_space<vmem>>
      %dma_start3A_151 = arith.constant 128 : i32
      %dma_start3A_152 = tpu.memref_slice %arg6[%dma_start3A_151] : memref<800xi32, #tpu.memory_space<vmem>> -> memref<72xi32, #tpu.memory_space<vmem>>
      %dma_start3A_153 = arith.constant 0 : i32
      %dma_start3A_154 = arith.constant 0 : i32
      %dma_start3A_155 = tpu.memref_slice %arg2[%dma_start3A_153, %dma_start3A_154] : memref<100000x64xf32, #tpu.memory_space<hbm>> -> memref<100000x64xf32, #tpu.memory_space<hbm>>
      tpu.enqueue_indirect_dma source(%dma_start3A_155 : memref<100000x64xf32, #tpu.memory_space<hbm>>) target(%dma_start3A_150 : memref<72x64xf32, #tpu.memory_space<vmem>>) offsets(%dma_start3A_152 : memref<72xi32, #tpu.memory_space<vmem>>) semaphore(%arg10 : memref<!tpu.dma_semaphore, #tpu.memory_space<semaphore_mem>>)
      %dma_start3A_156 = arith.constant 1 : i32
      %dma_start3A_157 = arith.constant 0 : i32
      %dma_start3A_158 = arith.constant 0 : i32
      %dma_start3A_159 = tpu.memref_slice %arg8[%dma_start3A_156, %dma_start3A_157, %dma_start3A_158] : memref<4x200x64xf32, #tpu.memory_space<vmem>> -> memref<1x128x64xf32, #tpu.memory_space<vmem>>
      %dma_start3A_160 = tpu.memref_squeeze %dma_start3A_159 : memref<1x128x64xf32, #tpu.memory_space<vmem>> -> memref<128x64xf32, #tpu.memory_space<vmem>>
      %dma_start3A_161 = arith.constant 200 : i32
      %dma_start3A_162 = tpu.memref_slice %arg6[%dma_start3A_161] : memref<800xi32, #tpu.memory_space<vmem>> -> memref<128xi32, #tpu.memory_space<vmem>>
      %dma_start3A_163 = arith.constant 0 : i32
      %dma_start3A_164 = arith.constant 0 : i32
      %dma_start3A_165 = tpu.memref_slice %arg2[%dma_start3A_163, %dma_start3A_164] : memref<100000x64xf32, #tpu.memory_space<hbm>> -> memref<100000x64xf32, #tpu.memory_space<hbm>>
      tpu.enqueue_indirect_dma source(%dma_start3A_165 : memref<100000x64xf32, #tpu.memory_space<hbm>>) target(%dma_start3A_160 : memref<128x64xf32, #tpu.memory_space<vmem>>) offsets(%dma_start3A_162 : memref<128xi32, #tpu.memory_space<vmem>>) semaphore(%arg10 : memref<!tpu.dma_semaphore, #tpu.memory_space<semaphore_mem>>)
      %dma_start3A_166 = arith.constant 1 : i32
      %dma_start3A_167 = arith.constant 128 : i32
      %dma_start3A_168 = arith.constant 0 : i32
      %dma_start3A_169 = tpu.memref_slice %arg8[%dma_start3A_166, %dma_start3A_167, %dma_start3A_168] : memref<4x200x64xf32, #tpu.memory_space<vmem>> -> memref<1x72x64xf32, #tpu.memory_space<vmem>>
      %dma_start3A_170 = tpu.memref_squeeze %dma_start3A_169 : memref<1x72x64xf32, #tpu.memory_space<vmem>> -> memref<72x64xf32, #tpu.memory_space<vmem>>
      %dma_start3A_171 = arith.constant 328 : i32
      %dma_start3A_172 = tpu.memref_slice %arg6[%dma_start3A_171] : memref<800xi32, #tpu.memory_space<vmem>> -> memref<72xi32, #tpu.memory_space<vmem>>
      %dma_start3A_173 = arith.constant 0 : i32
      %dma_start3A_174 = arith.constant 0 : i32
      %dma_start3A_175 = tpu.memref_slice %arg2[%dma_start3A_173, %dma_start3A_174] : memref<100000x64xf32, #tpu.memory_space<hbm>> -> memref<100000x64xf32, #tpu.memory_space<hbm>>
      tpu.enqueue_indirect_dma source(%dma_start3A_175 : memref<100000x64xf32, #tpu.memory_space<hbm>>) target(%dma_start3A_170 : memref<72x64xf32, #tpu.memory_space<vmem>>) offsets(%dma_start3A_172 : memref<72xi32, #tpu.memory_space<vmem>>) semaphore(%arg10 : memref<!tpu.dma_semaphore, #tpu.memory_space<semaphore_mem>>)
      %dma_start3A_176 = arith.constant 2 : i32
      %dma_start3A_177 = arith.constant 0 : i32
      %dma_start3A_178 = arith.constant 0 : i32
      %dma_start3A_179 = tpu.memref_slice %arg8[%dma_start3A_176, %dma_start3A_177, %dma_start3A_178] : memref<4x200x64xf32, #tpu.memory_space<vmem>> -> memref<1x128x64xf32, #tpu.memory_space<vmem>>
      %dma_start3A_180 = tpu.memref_squeeze %dma_start3A_179 : memref<1x128x64xf32, #tpu.memory_space<vmem>> -> memref<128x64xf32, #tpu.memory_space<vmem>>
      %dma_start3A_181 = arith.constant 400 : i32
      %dma_start3A_182 = tpu.memref_slice %arg6[%dma_start3A_181] : memref<800xi32, #tpu.memory_space<vmem>> -> memref<128xi32, #tpu.memory_space<vmem>>
      %dma_start3A_183 = arith.constant 0 : i32
      %dma_start3A_184 = arith.constant 0 : i32
      %dma_start3A_185 = tpu.memref_slice %arg2[%dma_start3A_183, %dma_start3A_184] : memref<100000x64xf32, #tpu.memory_space<hbm>> -> memref<100000x64xf32, #tpu.memory_space<hbm>>
      tpu.enqueue_indirect_dma source(%dma_start3A_185 : memref<100000x64xf32, #tpu.memory_space<hbm>>) target(%dma_start3A_180 : memref<128x64xf32, #tpu.memory_space<vmem>>) offsets(%dma_start3A_182 : memref<128xi32, #tpu.memory_space<vmem>>) semaphore(%arg10 : memref<!tpu.dma_semaphore, #tpu.memory_space<semaphore_mem>>)
      %dma_start3A_186 = arith.constant 2 : i32
      %dma_start3A_187 = arith.constant 128 : i32
      %dma_start3A_188 = arith.constant 0 : i32
      %dma_start3A_189 = tpu.memref_slice %arg8[%dma_start3A_186, %dma_start3A_187, %dma_start3A_188] : memref<4x200x64xf32, #tpu.memory_space<vmem>> -> memref<1x72x64xf32, #tpu.memory_space<vmem>>
      %dma_start3A_190 = tpu.memref_squeeze %dma_start3A_189 : memref<1x72x64xf32, #tpu.memory_space<vmem>> -> memref<72x64xf32, #tpu.memory_space<vmem>>
      %dma_start3A_191 = arith.constant 528 : i32
      %dma_start3A_192 = tpu.memref_slice %arg6[%dma_start3A_191] : memref<800xi32, #tpu.memory_space<vmem>> -> memref<72xi32, #tpu.memory_space<vmem>>
      %dma_start3A_193 = arith.constant 0 : i32
      %dma_start3A_194 = arith.constant 0 : i32
      %dma_start3A_195 = tpu.memref_slice %arg2[%dma_start3A_193, %dma_start3A_194] : memref<100000x64xf32, #tpu.memory_space<hbm>> -> memref<100000x64xf32, #tpu.memory_space<hbm>>
      tpu.enqueue_indirect_dma source(%dma_start3A_195 : memref<100000x64xf32, #tpu.memory_space<hbm>>) target(%dma_start3A_190 : memref<72x64xf32, #tpu.memory_space<vmem>>) offsets(%dma_start3A_192 : memref<72xi32, #tpu.memory_space<vmem>>) semaphore(%arg10 : memref<!tpu.dma_semaphore, #tpu.memory_space<semaphore_mem>>)
      %dma_start3A_196 = arith.constant 3 : i32
      %dma_start3A_197 = arith.constant 0 : i32
      %dma_start3A_198 = arith.constant 0 : i32
      %dma_start3A_199 = tpu.memref_slice %arg8[%dma_start3A_196, %dma_start3A_197, %dma_start3A_198] : memref<4x200x64xf32, #tpu.memory_space<vmem>> -> memref<1x128x64xf32, #tpu.memory_space<vmem>>
      %dma_start3A_200 = tpu.memref_squeeze %dma_start3A_199 : memref<1x128x64xf32, #tpu.memory_space<vmem>> -> memref<128x64xf32, #tpu.memory_space<vmem>>
      %dma_start3A_201 = arith.constant 600 : i32
      %dma_start3A_202 = tpu.memref_slice %arg6[%dma_start3A_201] : memref<800xi32, #tpu.memory_space<vmem>> -> memref<128xi32, #tpu.memory_space<vmem>>
      %dma_start3A_203 = arith.constant 0 : i32
      %dma_start3A_204 = arith.constant 0 : i32
      %dma_start3A_205 = tpu.memref_slice %arg2[%dma_start3A_203, %dma_start3A_204] : memref<100000x64xf32, #tpu.memory_space<hbm>> -> memref<100000x64xf32, #tpu.memory_space<hbm>>
      tpu.enqueue_indirect_dma source(%dma_start3A_205 : memref<100000x64xf32, #tpu.memory_space<hbm>>) target(%dma_start3A_200 : memref<128x64xf32, #tpu.memory_space<vmem>>) offsets(%dma_start3A_202 : memref<128xi32, #tpu.memory_space<vmem>>) semaphore(%arg10 : memref<!tpu.dma_semaphore, #tpu.memory_space<semaphore_mem>>)
      %dma_start3A_206 = arith.constant 3 : i32
      %dma_start3A_207 = arith.constant 128 : i32
      %dma_start3A_208 = arith.constant 0 : i32
      %dma_start3A_209 = tpu.memref_slice %arg8[%dma_start3A_206, %dma_start3A_207, %dma_start3A_208] : memref<4x200x64xf32, #tpu.memory_space<vmem>> -> memref<1x72x64xf32, #tpu.memory_space<vmem>>
      %dma_start3A_210 = tpu.memref_squeeze %dma_start3A_209 : memref<1x72x64xf32, #tpu.memory_space<vmem>> -> memref<72x64xf32, #tpu.memory_space<vmem>>
      %dma_start3A_211 = arith.constant 728 : i32
      %dma_start3A_212 = tpu.memref_slice %arg6[%dma_start3A_211] : memref<800xi32, #tpu.memory_space<vmem>> -> memref<72xi32, #tpu.memory_space<vmem>>
      %dma_start3A_213 = arith.constant 0 : i32
      %dma_start3A_214 = arith.constant 0 : i32
      %dma_start3A_215 = tpu.memref_slice %arg2[%dma_start3A_213, %dma_start3A_214] : memref<100000x64xf32, #tpu.memory_space<hbm>> -> memref<100000x64xf32, #tpu.memory_space<hbm>>
      tpu.enqueue_indirect_dma source(%dma_start3A_215 : memref<100000x64xf32, #tpu.memory_space<hbm>>) target(%dma_start3A_210 : memref<72x64xf32, #tpu.memory_space<vmem>>) offsets(%dma_start3A_212 : memref<72xi32, #tpu.memory_space<vmem>>) semaphore(%arg10 : memref<!tpu.dma_semaphore, #tpu.memory_space<semaphore_mem>>)
      %dma_wait3A_216 = arith.constant 0 : i32
      %dma_wait3A_217 = arith.constant 0 : i32
      %dma_wait3A_218 = arith.constant 0 : i32
      %dma_wait3A_219 = tpu.memref_slice %arg7[%dma_wait3A_216, %dma_wait3A_217, %dma_wait3A_218] : memref<4x200x64xf32, #tpu.memory_space<vmem>> -> memref<1x128x64xf32, #tpu.memory_space<vmem>>
      %dma_wait3A_220 = tpu.memref_squeeze %dma_wait3A_219 : memref<1x128x64xf32, #tpu.memory_space<vmem>> -> memref<128x64xf32, #tpu.memory_space<vmem>>
      %dma_wait3A_221 = arith.constant 0 : i32
      %dma_wait3A_222 = tpu.memref_slice %arg5[%dma_wait3A_221] : memref<800xi32, #tpu.memory_space<vmem>> -> memref<128xi32, #tpu.memory_space<vmem>>
      %dma_wait3A_223 = arith.constant 0 : i32
      %dma_wait3A_224 = arith.constant 0 : i32
      %dma_wait3A_225 = tpu.memref_slice %arg2[%dma_wait3A_223, %dma_wait3A_224] : memref<100000x64xf32, #tpu.memory_space<hbm>> -> memref<100000x64xf32, #tpu.memory_space<hbm>>
      tpu.wait_indirect_dma semaphore(%arg9 : memref<!tpu.dma_semaphore, #tpu.memory_space<semaphore_mem>>) src(%dma_wait3A_225 : memref<100000x64xf32, #tpu.memory_space<hbm>>) dst(%dma_wait3A_220 : memref<128x64xf32, #tpu.memory_space<vmem>>)
      %dma_wait3A_226 = arith.constant 0 : i32
      %dma_wait3A_227 = arith.constant 128 : i32
      %dma_wait3A_228 = arith.constant 0 : i32
      %dma_wait3A_229 = tpu.memref_slice %arg7[%dma_wait3A_226, %dma_wait3A_227, %dma_wait3A_228] : memref<4x200x64xf32, #tpu.memory_space<vmem>> -> memref<1x72x64xf32, #tpu.memory_space<vmem>>
      %dma_wait3A_230 = tpu.memref_squeeze %dma_wait3A_229 : memref<1x72x64xf32, #tpu.memory_space<vmem>> -> memref<72x64xf32, #tpu.memory_space<vmem>>
      %dma_wait3A_231 = arith.constant 128 : i32
      %dma_wait3A_232 = tpu.memref_slice %arg5[%dma_wait3A_231] : memref<800xi32, #tpu.memory_space<vmem>> -> memref<72xi32, #tpu.memory_space<vmem>>
      %dma_wait3A_233 = arith.constant 0 : i32
      %dma_wait3A_234 = arith.constant 0 : i32
      %dma_wait3A_235 = tpu.memref_slice %arg2[%dma_wait3A_233, %dma_wait3A_234] : memref<100000x64xf32, #tpu.memory_space<hbm>> -> memref<100000x64xf32, #tpu.memory_space<hbm>>
      tpu.wait_indirect_dma semaphore(%arg9 : memref<!tpu.dma_semaphore, #tpu.memory_space<semaphore_mem>>) src(%dma_wait3A_235 : memref<100000x64xf32, #tpu.memory_space<hbm>>) dst(%dma_wait3A_230 : memref<72x64xf32, #tpu.memory_space<vmem>>)
      %dma_wait3A_236 = arith.constant 1 : i32
      %dma_wait3A_237 = arith.constant 0 : i32
      %dma_wait3A_238 = arith.constant 0 : i32
      %dma_wait3A_239 = tpu.memref_slice %arg7[%dma_wait3A_236, %dma_wait3A_237, %dma_wait3A_238] : memref<4x200x64xf32, #tpu.memory_space<vmem>> -> memref<1x128x64xf32, #tpu.memory_space<vmem>>
      %dma_wait3A_240 = tpu.memref_squeeze %dma_wait3A_239 : memref<1x128x64xf32, #tpu.memory_space<vmem>> -> memref<128x64xf32, #tpu.memory_space<vmem>>
      %dma_wait3A_241 = arith.constant 200 : i32
      %dma_wait3A_242 = tpu.memref_slice %arg5[%dma_wait3A_241] : memref<800xi32, #tpu.memory_space<vmem>> -> memref<128xi32, #tpu.memory_space<vmem>>
      %dma_wait3A_243 = arith.constant 0 : i32
      %dma_wait3A_244 = arith.constant 0 : i32
      %dma_wait3A_245 = tpu.memref_slice %arg2[%dma_wait3A_243, %dma_wait3A_244] : memref<100000x64xf32, #tpu.memory_space<hbm>> -> memref<100000x64xf32, #tpu.memory_space<hbm>>
      tpu.wait_indirect_dma semaphore(%arg9 : memref<!tpu.dma_semaphore, #tpu.memory_space<semaphore_mem>>) src(%dma_wait3A_245 : memref<100000x64xf32, #tpu.memory_space<hbm>>) dst(%dma_wait3A_240 : memref<128x64xf32, #tpu.memory_space<vmem>>)
      %dma_wait3A_246 = arith.constant 1 : i32
      %dma_wait3A_247 = arith.constant 128 : i32
      %dma_wait3A_248 = arith.constant 0 : i32
      %dma_wait3A_249 = tpu.memref_slice %arg7[%dma_wait3A_246, %dma_wait3A_247, %dma_wait3A_248] : memref<4x200x64xf32, #tpu.memory_space<vmem>> -> memref<1x72x64xf32, #tpu.memory_space<vmem>>
      %dma_wait3A_250 = tpu.memref_squeeze %dma_wait3A_249 : memref<1x72x64xf32, #tpu.memory_space<vmem>> -> memref<72x64xf32, #tpu.memory_space<vmem>>
      %dma_wait3A_251 = arith.constant 328 : i32
      %dma_wait3A_252 = tpu.memref_slice %arg5[%dma_wait3A_251] : memref<800xi32, #tpu.memory_space<vmem>> -> memref<72xi32, #tpu.memory_space<vmem>>
      %dma_wait3A_253 = arith.constant 0 : i32
      %dma_wait3A_254 = arith.constant 0 : i32
      %dma_wait3A_255 = tpu.memref_slice %arg2[%dma_wait3A_253, %dma_wait3A_254] : memref<100000x64xf32, #tpu.memory_space<hbm>> -> memref<100000x64xf32, #tpu.memory_space<hbm>>
      tpu.wait_indirect_dma semaphore(%arg9 : memref<!tpu.dma_semaphore, #tpu.memory_space<semaphore_mem>>) src(%dma_wait3A_255 : memref<100000x64xf32, #tpu.memory_space<hbm>>) dst(%dma_wait3A_250 : memref<72x64xf32, #tpu.memory_space<vmem>>)
      %dma_wait3A_256 = arith.constant 2 : i32
      %dma_wait3A_257 = arith.constant 0 : i32
      %dma_wait3A_258 = arith.constant 0 : i32
      %dma_wait3A_259 = tpu.memref_slice %arg7[%dma_wait3A_256, %dma_wait3A_257, %dma_wait3A_258] : memref<4x200x64xf32, #tpu.memory_space<vmem>> -> memref<1x128x64xf32, #tpu.memory_space<vmem>>
      %dma_wait3A_260 = tpu.memref_squeeze %dma_wait3A_259 : memref<1x128x64xf32, #tpu.memory_space<vmem>> -> memref<128x64xf32, #tpu.memory_space<vmem>>
      %dma_wait3A_261 = arith.constant 400 : i32
      %dma_wait3A_262 = tpu.memref_slice %arg5[%dma_wait3A_261] : memref<800xi32, #tpu.memory_space<vmem>> -> memref<128xi32, #tpu.memory_space<vmem>>
      %dma_wait3A_263 = arith.constant 0 : i32
      %dma_wait3A_264 = arith.constant 0 : i32
      %dma_wait3A_265 = tpu.memref_slice %arg2[%dma_wait3A_263, %dma_wait3A_264] : memref<100000x64xf32, #tpu.memory_space<hbm>> -> memref<100000x64xf32, #tpu.memory_space<hbm>>
      tpu.wait_indirect_dma semaphore(%arg9 : memref<!tpu.dma_semaphore, #tpu.memory_space<semaphore_mem>>) src(%dma_wait3A_265 : memref<100000x64xf32, #tpu.memory_space<hbm>>) dst(%dma_wait3A_260 : memref<128x64xf32, #tpu.memory_space<vmem>>)
      %dma_wait3A_266 = arith.constant 2 : i32
      %dma_wait3A_267 = arith.constant 128 : i32
      %dma_wait3A_268 = arith.constant 0 : i32
      %dma_wait3A_269 = tpu.memref_slice %arg7[%dma_wait3A_266, %dma_wait3A_267, %dma_wait3A_268] : memref<4x200x64xf32, #tpu.memory_space<vmem>> -> memref<1x72x64xf32, #tpu.memory_space<vmem>>
      %dma_wait3A_270 = tpu.memref_squeeze %dma_wait3A_269 : memref<1x72x64xf32, #tpu.memory_space<vmem>> -> memref<72x64xf32, #tpu.memory_space<vmem>>
      %dma_wait3A_271 = arith.constant 528 : i32
      %dma_wait3A_272 = tpu.memref_slice %arg5[%dma_wait3A_271] : memref<800xi32, #tpu.memory_space<vmem>> -> memref<72xi32, #tpu.memory_space<vmem>>
      %dma_wait3A_273 = arith.constant 0 : i32
      %dma_wait3A_274 = arith.constant 0 : i32
      %dma_wait3A_275 = tpu.memref_slice %arg2[%dma_wait3A_273, %dma_wait3A_274] : memref<100000x64xf32, #tpu.memory_space<hbm>> -> memref<100000x64xf32, #tpu.memory_space<hbm>>
      tpu.wait_indirect_dma semaphore(%arg9 : memref<!tpu.dma_semaphore, #tpu.memory_space<semaphore_mem>>) src(%dma_wait3A_275 : memref<100000x64xf32, #tpu.memory_space<hbm>>) dst(%dma_wait3A_270 : memref<72x64xf32, #tpu.memory_space<vmem>>)
      %dma_wait3A_276 = arith.constant 3 : i32
      %dma_wait3A_277 = arith.constant 0 : i32
      %dma_wait3A_278 = arith.constant 0 : i32
      %dma_wait3A_279 = tpu.memref_slice %arg7[%dma_wait3A_276, %dma_wait3A_277, %dma_wait3A_278] : memref<4x200x64xf32, #tpu.memory_space<vmem>> -> memref<1x128x64xf32, #tpu.memory_space<vmem>>
      %dma_wait3A_280 = tpu.memref_squeeze %dma_wait3A_279 : memref<1x128x64xf32, #tpu.memory_space<vmem>> -> memref<128x64xf32, #tpu.memory_space<vmem>>
      %dma_wait3A_281 = arith.constant 600 : i32
      %dma_wait3A_282 = tpu.memref_slice %arg5[%dma_wait3A_281] : memref<800xi32, #tpu.memory_space<vmem>> -> memref<128xi32, #tpu.memory_space<vmem>>
      %dma_wait3A_283 = arith.constant 0 : i32
      %dma_wait3A_284 = arith.constant 0 : i32
      %dma_wait3A_285 = tpu.memref_slice %arg2[%dma_wait3A_283, %dma_wait3A_284] : memref<100000x64xf32, #tpu.memory_space<hbm>> -> memref<100000x64xf32, #tpu.memory_space<hbm>>
      tpu.wait_indirect_dma semaphore(%arg9 : memref<!tpu.dma_semaphore, #tpu.memory_space<semaphore_mem>>) src(%dma_wait3A_285 : memref<100000x64xf32, #tpu.memory_space<hbm>>) dst(%dma_wait3A_280 : memref<128x64xf32, #tpu.memory_space<vmem>>)
      %dma_wait3A_286 = arith.constant 3 : i32
      %dma_wait3A_287 = arith.constant 128 : i32
      %dma_wait3A_288 = arith.constant 0 : i32
      %dma_wait3A_289 = tpu.memref_slice %arg7[%dma_wait3A_286, %dma_wait3A_287, %dma_wait3A_288] : memref<4x200x64xf32, #tpu.memory_space<vmem>> -> memref<1x72x64xf32, #tpu.memory_space<vmem>>
      %dma_wait3A_290 = tpu.memref_squeeze %dma_wait3A_289 : memref<1x72x64xf32, #tpu.memory_space<vmem>> -> memref<72x64xf32, #tpu.memory_space<vmem>>
      %dma_wait3A_291 = arith.constant 728 : i32
      %dma_wait3A_292 = tpu.memref_slice %arg5[%dma_wait3A_291] : memref<800xi32, #tpu.memory_space<vmem>> -> memref<72xi32, #tpu.memory_space<vmem>>
      %dma_wait3A_293 = arith.constant 0 : i32
      %dma_wait3A_294 = arith.constant 0 : i32
      %dma_wait3A_295 = tpu.memref_slice %arg2[%dma_wait3A_293, %dma_wait3A_294] : memref<100000x64xf32, #tpu.memory_space<hbm>> -> memref<100000x64xf32, #tpu.memory_space<hbm>>
      tpu.wait_indirect_dma semaphore(%arg9 : memref<!tpu.dma_semaphore, #tpu.memory_space<semaphore_mem>>) src(%dma_wait3A_295 : memref<100000x64xf32, #tpu.memory_space<hbm>>) dst(%dma_wait3A_290 : memref<72x64xf32, #tpu.memory_space<vmem>>)
      %dma_start3A_296 = arith.constant 0 : i32
      %dma_start3A_297 = arith.constant 0 : i32
      %dma_start3A_298 = tpu.memref_slice %arg4[%add3A_123, %dma_start3A_296, %dma_start3A_297] : memref<16384x200x128xf32, #tpu.memory_space<hbm>> -> memref<4x200x64xf32, #tpu.memory_space<hbm>>
      %dma_start3A_299 = arith.constant 0 : i32
      %dma_start3A_300 = arith.constant 0 : i32
      %dma_start3A_301 = tpu.memref_slice %arg4[%add3A_123, %dma_start3A_299, %dma_start3A_300] : memref<16384x200x128xf32, #tpu.memory_space<hbm>> -> memref<4x200x64xf32, #tpu.memory_space<hbm>>
      tpu.enqueue_dma source(%arg7 : memref<4x200x64xf32, #tpu.memory_space<vmem>>) target(%dma_start3A_301 : memref<4x200x64xf32, #tpu.memory_space<hbm>>) target_semaphore(%arg11 : memref<!tpu.dma_semaphore, #tpu.memory_space<semaphore_mem>>)
      %lt3A = arith.constant 63 : i32
      %lt3A_302 = arith.cmpi slt, %scan3A_117, %lt3A : i32
      %convert_element_type3A_303 = arith.extui %lt3A_302 : i1 to i32
      %cond3A_304 = arith.constant 0 : i32
      %cond3A_305 = arith.cmpi ne, %convert_element_type3A_303, %cond3A_304 : i32
      scf.if %cond3A_305 {
        %mul3A_398 = arith.constant 200 : i32
        %mul3A_399 = arith.muli %add3A_127, %mul3A_398 : i32
        %dma_start3A_400 = tpu.memref_slice %arg3[%mul3A_399] : memref<3276800xi32, #tpu.memory_space<hbm>> -> memref<800xi32, #tpu.memory_space<hbm>>
        %dma_start3A_401 = tpu.memref_slice %arg3[%mul3A_399] : memref<3276800xi32, #tpu.memory_space<hbm>> -> memref<800xi32, #tpu.memory_space<hbm>>
        tpu.enqueue_dma source(%dma_start3A_401 : memref<800xi32, #tpu.memory_space<hbm>>) target(%arg5 : memref<800xi32, #tpu.memory_space<vmem>>) target_semaphore(%arg13 : memref<!tpu.dma_semaphore, #tpu.memory_space<semaphore_mem>>)
        %dma_wait3A_402 = arith.constant 0 : i32
        %dma_wait3A_403 = arith.constant 0 : i32
        %dma_wait3A_404 = tpu.memref_slice %arg4[%add3A_123, %dma_wait3A_402, %dma_wait3A_403] : memref<16384x200x128xf32, #tpu.memory_space<hbm>> -> memref<4x200x64xf32, #tpu.memory_space<hbm>>
        %dma_wait3A_405 = arith.constant 0 : i32
        %dma_wait3A_406 = arith.constant 0 : i32
        %dma_wait3A_407 = tpu.memref_slice %arg4[%add3A_123, %dma_wait3A_405, %dma_wait3A_406] : memref<16384x200x128xf32, #tpu.memory_space<hbm>> -> memref<4x200x64xf32, #tpu.memory_space<hbm>>
        tpu.wait_dma2 semaphore(%arg11 : memref<!tpu.dma_semaphore, #tpu.memory_space<semaphore_mem>>) src(%arg7 : memref<4x200x64xf32, #tpu.memory_space<vmem>>) dst(%dma_wait3A_407 : memref<4x200x64xf32, #tpu.memory_space<hbm>>)
        %mul3A_408 = arith.constant 200 : i32
        %mul3A_409 = arith.muli %add3A_127, %mul3A_408 : i32
        %dma_wait3A_410 = tpu.memref_slice %arg3[%mul3A_409] : memref<3276800xi32, #tpu.memory_space<hbm>> -> memref<800xi32, #tpu.memory_space<hbm>>
        %dma_wait3A_411 = tpu.memref_slice %arg3[%mul3A_409] : memref<3276800xi32, #tpu.memory_space<hbm>> -> memref<800xi32, #tpu.memory_space<hbm>>
        tpu.wait_dma2 semaphore(%arg13 : memref<!tpu.dma_semaphore, #tpu.memory_space<semaphore_mem>>) src(%dma_wait3A_411 : memref<800xi32, #tpu.memory_space<hbm>>) dst(%arg5 : memref<800xi32, #tpu.memory_space<vmem>>)
        %dma_start3A_412 = arith.constant 0 : i32
        %dma_start3A_413 = arith.constant 0 : i32
        %dma_start3A_414 = arith.constant 0 : i32
        %dma_start3A_415 = tpu.memref_slice %arg7[%dma_start3A_412, %dma_start3A_413, %dma_start3A_414] : memref<4x200x64xf32, #tpu.memory_space<vmem>> -> memref<1x128x64xf32, #tpu.memory_space<vmem>>
        %dma_start3A_416 = tpu.memref_squeeze %dma_start3A_415 : memref<1x128x64xf32, #tpu.memory_space<vmem>> -> memref<128x64xf32, #tpu.memory_space<vmem>>
        %dma_start3A_417 = arith.constant 0 : i32
        %dma_start3A_418 = tpu.memref_slice %arg5[%dma_start3A_417] : memref<800xi32, #tpu.memory_space<vmem>> -> memref<128xi32, #tpu.memory_space<vmem>>
        %dma_start3A_419 = arith.constant 0 : i32
        %dma_start3A_420 = arith.constant 0 : i32
        %dma_start3A_421 = tpu.memref_slice %arg2[%dma_start3A_419, %dma_start3A_420] : memref<100000x64xf32, #tpu.memory_space<hbm>> -> memref<100000x64xf32, #tpu.memory_space<hbm>>
        tpu.enqueue_indirect_dma source(%dma_start3A_421 : memref<100000x64xf32, #tpu.memory_space<hbm>>) target(%dma_start3A_416 : memref<128x64xf32, #tpu.memory_space<vmem>>) offsets(%dma_start3A_418 : memref<128xi32, #tpu.memory_space<vmem>>) semaphore(%arg9 : memref<!tpu.dma_semaphore, #tpu.memory_space<semaphore_mem>>)
        %dma_start3A_422 = arith.constant 0 : i32
        %dma_start3A_423 = arith.constant 128 : i32
        %dma_start3A_424 = arith.constant 0 : i32
        %dma_start3A_425 = tpu.memref_slice %arg7[%dma_start3A_422, %dma_start3A_423, %dma_start3A_424] : memref<4x200x64xf32, #tpu.memory_space<vmem>> -> memref<1x72x64xf32, #tpu.memory_space<vmem>>
        %dma_start3A_426 = tpu.memref_squeeze %dma_start3A_425 : memref<1x72x64xf32, #tpu.memory_space<vmem>> -> memref<72x64xf32, #tpu.memory_space<vmem>>
        %dma_start3A_427 = arith.constant 128 : i32
        %dma_start3A_428 = tpu.memref_slice %arg5[%dma_start3A_427] : memref<800xi32, #tpu.memory_space<vmem>> -> memref<72xi32, #tpu.memory_space<vmem>>
        %dma_start3A_429 = arith.constant 0 : i32
        %dma_start3A_430 = arith.constant 0 : i32
        %dma_start3A_431 = tpu.memref_slice %arg2[%dma_start3A_429, %dma_start3A_430] : memref<100000x64xf32, #tpu.memory_space<hbm>> -> memref<100000x64xf32, #tpu.memory_space<hbm>>
        tpu.enqueue_indirect_dma source(%dma_start3A_431 : memref<100000x64xf32, #tpu.memory_space<hbm>>) target(%dma_start3A_426 : memref<72x64xf32, #tpu.memory_space<vmem>>) offsets(%dma_start3A_428 : memref<72xi32, #tpu.memory_space<vmem>>) semaphore(%arg9 : memref<!tpu.dma_semaphore, #tpu.memory_space<semaphore_mem>>)
        %dma_start3A_432 = arith.constant 1 : i32
        %dma_start3A_433 = arith.constant 0 : i32
        %dma_start3A_434 = arith.constant 0 : i32
        %dma_start3A_435 = tpu.memref_slice %arg7[%dma_start3A_432, %dma_start3A_433, %dma_start3A_434] : memref<4x200x64xf32, #tpu.memory_space<vmem>> -> memref<1x128x64xf32, #tpu.memory_space<vmem>>
        %dma_start3A_436 = tpu.memref_squeeze %dma_start3A_435 : memref<1x128x64xf32, #tpu.memory_space<vmem>> -> memref<128x64xf32, #tpu.memory_space<vmem>>
        %dma_start3A_437 = arith.constant 200 : i32
        %dma_start3A_438 = tpu.memref_slice %arg5[%dma_start3A_437] : memref<800xi32, #tpu.memory_space<vmem>> -> memref<128xi32, #tpu.memory_space<vmem>>
        %dma_start3A_439 = arith.constant 0 : i32
        %dma_start3A_440 = arith.constant 0 : i32
        %dma_start3A_441 = tpu.memref_slice %arg2[%dma_start3A_439, %dma_start3A_440] : memref<100000x64xf32, #tpu.memory_space<hbm>> -> memref<100000x64xf32, #tpu.memory_space<hbm>>
        tpu.enqueue_indirect_dma source(%dma_start3A_441 : memref<100000x64xf32, #tpu.memory_space<hbm>>) target(%dma_start3A_436 : memref<128x64xf32, #tpu.memory_space<vmem>>) offsets(%dma_start3A_438 : memref<128xi32, #tpu.memory_space<vmem>>) semaphore(%arg9 : memref<!tpu.dma_semaphore, #tpu.memory_space<semaphore_mem>>)
        %dma_start3A_442 = arith.constant 1 : i32
        %dma_start3A_443 = arith.constant 128 : i32
        %dma_start3A_444 = arith.constant 0 : i32
        %dma_start3A_445 = tpu.memref_slice %arg7[%dma_start3A_442, %dma_start3A_443, %dma_start3A_444] : memref<4x200x64xf32, #tpu.memory_space<vmem>> -> memref<1x72x64xf32, #tpu.memory_space<vmem>>
        %dma_start3A_446 = tpu.memref_squeeze %dma_start3A_445 : memref<1x72x64xf32, #tpu.memory_space<vmem>> -> memref<72x64xf32, #tpu.memory_space<vmem>>
        %dma_start3A_447 = arith.constant 328 : i32
        %dma_start3A_448 = tpu.memref_slice %arg5[%dma_start3A_447] : memref<800xi32, #tpu.memory_space<vmem>> -> memref<72xi32, #tpu.memory_space<vmem>>
        %dma_start3A_449 = arith.constant 0 : i32
        %dma_start3A_450 = arith.constant 0 : i32
        %dma_start3A_451 = tpu.memref_slice %arg2[%dma_start3A_449, %dma_start3A_450] : memref<100000x64xf32, #tpu.memory_space<hbm>> -> memref<100000x64xf32, #tpu.memory_space<hbm>>
        tpu.enqueue_indirect_dma source(%dma_start3A_451 : memref<100000x64xf32, #tpu.memory_space<hbm>>) target(%dma_start3A_446 : memref<72x64xf32, #tpu.memory_space<vmem>>) offsets(%dma_start3A_448 : memref<72xi32, #tpu.memory_space<vmem>>) semaphore(%arg9 : memref<!tpu.dma_semaphore, #tpu.memory_space<semaphore_mem>>)
        %dma_start3A_452 = arith.constant 2 : i32
        %dma_start3A_453 = arith.constant 0 : i32
        %dma_start3A_454 = arith.constant 0 : i32
        %dma_start3A_455 = tpu.memref_slice %arg7[%dma_start3A_452, %dma_start3A_453, %dma_start3A_454] : memref<4x200x64xf32, #tpu.memory_space<vmem>> -> memref<1x128x64xf32, #tpu.memory_space<vmem>>
        %dma_start3A_456 = tpu.memref_squeeze %dma_start3A_455 : memref<1x128x64xf32, #tpu.memory_space<vmem>> -> memref<128x64xf32, #tpu.memory_space<vmem>>
        %dma_start3A_457 = arith.constant 400 : i32
        %dma_start3A_458 = tpu.memref_slice %arg5[%dma_start3A_457] : memref<800xi32, #tpu.memory_space<vmem>> -> memref<128xi32, #tpu.memory_space<vmem>>
        %dma_start3A_459 = arith.constant 0 : i32
        %dma_start3A_460 = arith.constant 0 : i32
        %dma_start3A_461 = tpu.memref_slice %arg2[%dma_start3A_459, %dma_start3A_460] : memref<100000x64xf32, #tpu.memory_space<hbm>> -> memref<100000x64xf32, #tpu.memory_space<hbm>>
        tpu.enqueue_indirect_dma source(%dma_start3A_461 : memref<100000x64xf32, #tpu.memory_space<hbm>>) target(%dma_start3A_456 : memref<128x64xf32, #tpu.memory_space<vmem>>) offsets(%dma_start3A_458 : memref<128xi32, #tpu.memory_space<vmem>>) semaphore(%arg9 : memref<!tpu.dma_semaphore, #tpu.memory_space<semaphore_mem>>)
        %dma_start3A_462 = arith.constant 2 : i32
        %dma_start3A_463 = arith.constant 128 : i32
        %dma_start3A_464 = arith.constant 0 : i32
        %dma_start3A_465 = tpu.memref_slice %arg7[%dma_start3A_462, %dma_start3A_463, %dma_start3A_464] : memref<4x200x64xf32, #tpu.memory_space<vmem>> -> memref<1x72x64xf32, #tpu.memory_space<vmem>>
        %dma_start3A_466 = tpu.memref_squeeze %dma_start3A_465 : memref<1x72x64xf32, #tpu.memory_space<vmem>> -> memref<72x64xf32, #tpu.memory_space<vmem>>
        %dma_start3A_467 = arith.constant 528 : i32
        %dma_start3A_468 = tpu.memref_slice %arg5[%dma_start3A_467] : memref<800xi32, #tpu.memory_space<vmem>> -> memref<72xi32, #tpu.memory_space<vmem>>
        %dma_start3A_469 = arith.constant 0 : i32
        %dma_start3A_470 = arith.constant 0 : i32
        %dma_start3A_471 = tpu.memref_slice %arg2[%dma_start3A_469, %dma_start3A_470] : memref<100000x64xf32, #tpu.memory_space<hbm>> -> memref<100000x64xf32, #tpu.memory_space<hbm>>
        tpu.enqueue_indirect_dma source(%dma_start3A_471 : memref<100000x64xf32, #tpu.memory_space<hbm>>) target(%dma_start3A_466 : memref<72x64xf32, #tpu.memory_space<vmem>>) offsets(%dma_start3A_468 : memref<72xi32, #tpu.memory_space<vmem>>) semaphore(%arg9 : memref<!tpu.dma_semaphore, #tpu.memory_space<semaphore_mem>>)
        %dma_start3A_472 = arith.constant 3 : i32
        %dma_start3A_473 = arith.constant 0 : i32
        %dma_start3A_474 = arith.constant 0 : i32
        %dma_start3A_475 = tpu.memref_slice %arg7[%dma_start3A_472, %dma_start3A_473, %dma_start3A_474] : memref<4x200x64xf32, #tpu.memory_space<vmem>> -> memref<1x128x64xf32, #tpu.memory_space<vmem>>
        %dma_start3A_476 = tpu.memref_squeeze %dma_start3A_475 : memref<1x128x64xf32, #tpu.memory_space<vmem>> -> memref<128x64xf32, #tpu.memory_space<vmem>>
        %dma_start3A_477 = arith.constant 600 : i32
        %dma_start3A_478 = tpu.memref_slice %arg5[%dma_start3A_477] : memref<800xi32, #tpu.memory_space<vmem>> -> memref<128xi32, #tpu.memory_space<vmem>>
        %dma_start3A_479 = arith.constant 0 : i32
        %dma_start3A_480 = arith.constant 0 : i32
        %dma_start3A_481 = tpu.memref_slice %arg2[%dma_start3A_479, %dma_start3A_480] : memref<100000x64xf32, #tpu.memory_space<hbm>> -> memref<100000x64xf32, #tpu.memory_space<hbm>>
        tpu.enqueue_indirect_dma source(%dma_start3A_481 : memref<100000x64xf32, #tpu.memory_space<hbm>>) target(%dma_start3A_476 : memref<128x64xf32, #tpu.memory_space<vmem>>) offsets(%dma_start3A_478 : memref<128xi32, #tpu.memory_space<vmem>>) semaphore(%arg9 : memref<!tpu.dma_semaphore, #tpu.memory_space<semaphore_mem>>)
        %dma_start3A_482 = arith.constant 3 : i32
        %dma_start3A_483 = arith.constant 128 : i32
        %dma_start3A_484 = arith.constant 0 : i32
        %dma_start3A_485 = tpu.memref_slice %arg7[%dma_start3A_482, %dma_start3A_483, %dma_start3A_484] : memref<4x200x64xf32, #tpu.memory_space<vmem>> -> memref<1x72x64xf32, #tpu.memory_space<vmem>>
        %dma_start3A_486 = tpu.memref_squeeze %dma_start3A_485 : memref<1x72x64xf32, #tpu.memory_space<vmem>> -> memref<72x64xf32, #tpu.memory_space<vmem>>
        %dma_start3A_487 = arith.constant 728 : i32
        %dma_start3A_488 = tpu.memref_slice %arg5[%dma_start3A_487] : memref<800xi32, #tpu.memory_space<vmem>> -> memref<72xi32, #tpu.memory_space<vmem>>
        %dma_start3A_489 = arith.constant 0 : i32
        %dma_start3A_490 = arith.constant 0 : i32
        %dma_start3A_491 = tpu.memref_slice %arg2[%dma_start3A_489, %dma_start3A_490] : memref<100000x64xf32, #tpu.memory_space<hbm>> -> memref<100000x64xf32, #tpu.memory_space<hbm>>
        tpu.enqueue_indirect_dma source(%dma_start3A_491 : memref<100000x64xf32, #tpu.memory_space<hbm>>) target(%dma_start3A_486 : memref<72x64xf32, #tpu.memory_space<vmem>>) offsets(%dma_start3A_488 : memref<72xi32, #tpu.memory_space<vmem>>) semaphore(%arg9 : memref<!tpu.dma_semaphore, #tpu.memory_space<semaphore_mem>>)
      } else {
      }
      %dma_wait3A_306 = arith.constant 0 : i32
      %dma_wait3A_307 = arith.constant 0 : i32
      %dma_wait3A_308 = arith.constant 0 : i32
      %dma_wait3A_309 = tpu.memref_slice %arg8[%dma_wait3A_306, %dma_wait3A_307, %dma_wait3A_308] : memref<4x200x64xf32, #tpu.memory_space<vmem>> -> memref<1x128x64xf32, #tpu.memory_space<vmem>>
      %dma_wait3A_310 = tpu.memref_squeeze %dma_wait3A_309 : memref<1x128x64xf32, #tpu.memory_space<vmem>> -> memref<128x64xf32, #tpu.memory_space<vmem>>
      %dma_wait3A_311 = arith.constant 0 : i32
      %dma_wait3A_312 = tpu.memref_slice %arg6[%dma_wait3A_311] : memref<800xi32, #tpu.memory_space<vmem>> -> memref<128xi32, #tpu.memory_space<vmem>>
      %dma_wait3A_313 = arith.constant 0 : i32
      %dma_wait3A_314 = arith.constant 0 : i32
      %dma_wait3A_315 = tpu.memref_slice %arg2[%dma_wait3A_313, %dma_wait3A_314] : memref<100000x64xf32, #tpu.memory_space<hbm>> -> memref<100000x64xf32, #tpu.memory_space<hbm>>
      tpu.wait_indirect_dma semaphore(%arg10 : memref<!tpu.dma_semaphore, #tpu.memory_space<semaphore_mem>>) src(%dma_wait3A_315 : memref<100000x64xf32, #tpu.memory_space<hbm>>) dst(%dma_wait3A_310 : memref<128x64xf32, #tpu.memory_space<vmem>>)
      %dma_wait3A_316 = arith.constant 0 : i32
      %dma_wait3A_317 = arith.constant 128 : i32
      %dma_wait3A_318 = arith.constant 0 : i32
      %dma_wait3A_319 = tpu.memref_slice %arg8[%dma_wait3A_316, %dma_wait3A_317, %dma_wait3A_318] : memref<4x200x64xf32, #tpu.memory_space<vmem>> -> memref<1x72x64xf32, #tpu.memory_space<vmem>>
      %dma_wait3A_320 = tpu.memref_squeeze %dma_wait3A_319 : memref<1x72x64xf32, #tpu.memory_space<vmem>> -> memref<72x64xf32, #tpu.memory_space<vmem>>
      %dma_wait3A_321 = arith.constant 128 : i32
      %dma_wait3A_322 = tpu.memref_slice %arg6[%dma_wait3A_321] : memref<800xi32, #tpu.memory_space<vmem>> -> memref<72xi32, #tpu.memory_space<vmem>>
      %dma_wait3A_323 = arith.constant 0 : i32
      %dma_wait3A_324 = arith.constant 0 : i32
      %dma_wait3A_325 = tpu.memref_slice %arg2[%dma_wait3A_323, %dma_wait3A_324] : memref<100000x64xf32, #tpu.memory_space<hbm>> -> memref<100000x64xf32, #tpu.memory_space<hbm>>
      tpu.wait_indirect_dma semaphore(%arg10 : memref<!tpu.dma_semaphore, #tpu.memory_space<semaphore_mem>>) src(%dma_wait3A_325 : memref<100000x64xf32, #tpu.memory_space<hbm>>) dst(%dma_wait3A_320 : memref<72x64xf32, #tpu.memory_space<vmem>>)
      %dma_wait3A_326 = arith.constant 1 : i32
      %dma_wait3A_327 = arith.constant 0 : i32
      %dma_wait3A_328 = arith.constant 0 : i32
      %dma_wait3A_329 = tpu.memref_slice %arg8[%dma_wait3A_326, %dma_wait3A_327, %dma_wait3A_328] : memref<4x200x64xf32, #tpu.memory_space<vmem>> -> memref<1x128x64xf32, #tpu.memory_space<vmem>>
      %dma_wait3A_330 = tpu.memref_squeeze %dma_wait3A_329 : memref<1x128x64xf32, #tpu.memory_space<vmem>> -> memref<128x64xf32, #tpu.memory_space<vmem>>
      %dma_wait3A_331 = arith.constant 200 : i32
      %dma_wait3A_332 = tpu.memref_slice %arg6[%dma_wait3A_331] : memref<800xi32, #tpu.memory_space<vmem>> -> memref<128xi32, #tpu.memory_space<vmem>>
      %dma_wait3A_333 = arith.constant 0 : i32
      %dma_wait3A_334 = arith.constant 0 : i32
      %dma_wait3A_335 = tpu.memref_slice %arg2[%dma_wait3A_333, %dma_wait3A_334] : memref<100000x64xf32, #tpu.memory_space<hbm>> -> memref<100000x64xf32, #tpu.memory_space<hbm>>
      tpu.wait_indirect_dma semaphore(%arg10 : memref<!tpu.dma_semaphore, #tpu.memory_space<semaphore_mem>>) src(%dma_wait3A_335 : memref<100000x64xf32, #tpu.memory_space<hbm>>) dst(%dma_wait3A_330 : memref<128x64xf32, #tpu.memory_space<vmem>>)
      %dma_wait3A_336 = arith.constant 1 : i32
      %dma_wait3A_337 = arith.constant 128 : i32
      %dma_wait3A_338 = arith.constant 0 : i32
      %dma_wait3A_339 = tpu.memref_slice %arg8[%dma_wait3A_336, %dma_wait3A_337, %dma_wait3A_338] : memref<4x200x64xf32, #tpu.memory_space<vmem>> -> memref<1x72x64xf32, #tpu.memory_space<vmem>>
      %dma_wait3A_340 = tpu.memref_squeeze %dma_wait3A_339 : memref<1x72x64xf32, #tpu.memory_space<vmem>> -> memref<72x64xf32, #tpu.memory_space<vmem>>
      %dma_wait3A_341 = arith.constant 328 : i32
      %dma_wait3A_342 = tpu.memref_slice %arg6[%dma_wait3A_341] : memref<800xi32, #tpu.memory_space<vmem>> -> memref<72xi32, #tpu.memory_space<vmem>>
      %dma_wait3A_343 = arith.constant 0 : i32
      %dma_wait3A_344 = arith.constant 0 : i32
      %dma_wait3A_345 = tpu.memref_slice %arg2[%dma_wait3A_343, %dma_wait3A_344] : memref<100000x64xf32, #tpu.memory_space<hbm>> -> memref<100000x64xf32, #tpu.memory_space<hbm>>
      tpu.wait_indirect_dma semaphore(%arg10 : memref<!tpu.dma_semaphore, #tpu.memory_space<semaphore_mem>>) src(%dma_wait3A_345 : memref<100000x64xf32, #tpu.memory_space<hbm>>) dst(%dma_wait3A_340 : memref<72x64xf32, #tpu.memory_space<vmem>>)
      %dma_wait3A_346 = arith.constant 2 : i32
      %dma_wait3A_347 = arith.constant 0 : i32
      %dma_wait3A_348 = arith.constant 0 : i32
      %dma_wait3A_349 = tpu.memref_slice %arg8[%dma_wait3A_346, %dma_wait3A_347, %dma_wait3A_348] : memref<4x200x64xf32, #tpu.memory_space<vmem>> -> memref<1x128x64xf32, #tpu.memory_space<vmem>>
      %dma_wait3A_350 = tpu.memref_squeeze %dma_wait3A_349 : memref<1x128x64xf32, #tpu.memory_space<vmem>> -> memref<128x64xf32, #tpu.memory_space<vmem>>
      %dma_wait3A_351 = arith.constant 400 : i32
      %dma_wait3A_352 = tpu.memref_slice %arg6[%dma_wait3A_351] : memref<800xi32, #tpu.memory_space<vmem>> -> memref<128xi32, #tpu.memory_space<vmem>>
      %dma_wait3A_353 = arith.constant 0 : i32
      %dma_wait3A_354 = arith.constant 0 : i32
      %dma_wait3A_355 = tpu.memref_slice %arg2[%dma_wait3A_353, %dma_wait3A_354] : memref<100000x64xf32, #tpu.memory_space<hbm>> -> memref<100000x64xf32, #tpu.memory_space<hbm>>
      tpu.wait_indirect_dma semaphore(%arg10 : memref<!tpu.dma_semaphore, #tpu.memory_space<semaphore_mem>>) src(%dma_wait3A_355 : memref<100000x64xf32, #tpu.memory_space<hbm>>) dst(%dma_wait3A_350 : memref<128x64xf32, #tpu.memory_space<vmem>>)
      %dma_wait3A_356 = arith.constant 2 : i32
      %dma_wait3A_357 = arith.constant 128 : i32
      %dma_wait3A_358 = arith.constant 0 : i32
      %dma_wait3A_359 = tpu.memref_slice %arg8[%dma_wait3A_356, %dma_wait3A_357, %dma_wait3A_358] : memref<4x200x64xf32, #tpu.memory_space<vmem>> -> memref<1x72x64xf32, #tpu.memory_space<vmem>>
      %dma_wait3A_360 = tpu.memref_squeeze %dma_wait3A_359 : memref<1x72x64xf32, #tpu.memory_space<vmem>> -> memref<72x64xf32, #tpu.memory_space<vmem>>
      %dma_wait3A_361 = arith.constant 528 : i32
      %dma_wait3A_362 = tpu.memref_slice %arg6[%dma_wait3A_361] : memref<800xi32, #tpu.memory_space<vmem>> -> memref<72xi32, #tpu.memory_space<vmem>>
      %dma_wait3A_363 = arith.constant 0 : i32
      %dma_wait3A_364 = arith.constant 0 : i32
      %dma_wait3A_365 = tpu.memref_slice %arg2[%dma_wait3A_363, %dma_wait3A_364] : memref<100000x64xf32, #tpu.memory_space<hbm>> -> memref<100000x64xf32, #tpu.memory_space<hbm>>
      tpu.wait_indirect_dma semaphore(%arg10 : memref<!tpu.dma_semaphore, #tpu.memory_space<semaphore_mem>>) src(%dma_wait3A_365 : memref<100000x64xf32, #tpu.memory_space<hbm>>) dst(%dma_wait3A_360 : memref<72x64xf32, #tpu.memory_space<vmem>>)
      %dma_wait3A_366 = arith.constant 3 : i32
      %dma_wait3A_367 = arith.constant 0 : i32
      %dma_wait3A_368 = arith.constant 0 : i32
      %dma_wait3A_369 = tpu.memref_slice %arg8[%dma_wait3A_366, %dma_wait3A_367, %dma_wait3A_368] : memref<4x200x64xf32, #tpu.memory_space<vmem>> -> memref<1x128x64xf32, #tpu.memory_space<vmem>>
      %dma_wait3A_370 = tpu.memref_squeeze %dma_wait3A_369 : memref<1x128x64xf32, #tpu.memory_space<vmem>> -> memref<128x64xf32, #tpu.memory_space<vmem>>
      %dma_wait3A_371 = arith.constant 600 : i32
      %dma_wait3A_372 = tpu.memref_slice %arg6[%dma_wait3A_371] : memref<800xi32, #tpu.memory_space<vmem>> -> memref<128xi32, #tpu.memory_space<vmem>>
      %dma_wait3A_373 = arith.constant 0 : i32
      %dma_wait3A_374 = arith.constant 0 : i32
      %dma_wait3A_375 = tpu.memref_slice %arg2[%dma_wait3A_373, %dma_wait3A_374] : memref<100000x64xf32, #tpu.memory_space<hbm>> -> memref<100000x64xf32, #tpu.memory_space<hbm>>
      tpu.wait_indirect_dma semaphore(%arg10 : memref<!tpu.dma_semaphore, #tpu.memory_space<semaphore_mem>>) src(%dma_wait3A_375 : memref<100000x64xf32, #tpu.memory_space<hbm>>) dst(%dma_wait3A_370 : memref<128x64xf32, #tpu.memory_space<vmem>>)
      %dma_wait3A_376 = arith.constant 3 : i32
      %dma_wait3A_377 = arith.constant 128 : i32
      %dma_wait3A_378 = arith.constant 0 : i32
      %dma_wait3A_379 = tpu.memref_slice %arg8[%dma_wait3A_376, %dma_wait3A_377, %dma_wait3A_378] : memref<4x200x64xf32, #tpu.memory_space<vmem>> -> memref<1x72x64xf32, #tpu.memory_space<vmem>>
      %dma_wait3A_380 = tpu.memref_squeeze %dma_wait3A_379 : memref<1x72x64xf32, #tpu.memory_space<vmem>> -> memref<72x64xf32, #tpu.memory_space<vmem>>
      %dma_wait3A_381 = arith.constant 728 : i32
      %dma_wait3A_382 = tpu.memref_slice %arg6[%dma_wait3A_381] : memref<800xi32, #tpu.memory_space<vmem>> -> memref<72xi32, #tpu.memory_space<vmem>>
      %dma_wait3A_383 = arith.constant 0 : i32
      %dma_wait3A_384 = arith.constant 0 : i32
      %dma_wait3A_385 = tpu.memref_slice %arg2[%dma_wait3A_383, %dma_wait3A_384] : memref<100000x64xf32, #tpu.memory_space<hbm>> -> memref<100000x64xf32, #tpu.memory_space<hbm>>
      tpu.wait_indirect_dma semaphore(%arg10 : memref<!tpu.dma_semaphore, #tpu.memory_space<semaphore_mem>>) src(%dma_wait3A_385 : memref<100000x64xf32, #tpu.memory_space<hbm>>) dst(%dma_wait3A_380 : memref<72x64xf32, #tpu.memory_space<vmem>>)
      %lt3A_386 = arith.constant 63 : i32
      %lt3A_387 = arith.cmpi slt, %scan3A_117, %lt3A_386 : i32
      %convert_element_type3A_388 = arith.extui %lt3A_387 : i1 to i32
      %cond3A_389 = arith.constant 0 : i32
      %cond3A_390 = arith.cmpi ne, %convert_element_type3A_388, %cond3A_389 : i32
      scf.if %cond3A_390 {
        %mul3A_398 = arith.constant 200 : i32
        %mul3A_399 = arith.muli %add3A_129, %mul3A_398 : i32
        %dma_start3A_400 = tpu.memref_slice %arg3[%mul3A_399] : memref<3276800xi32, #tpu.memory_space<hbm>> -> memref<800xi32, #tpu.memory_space<hbm>>
        %dma_start3A_401 = tpu.memref_slice %arg3[%mul3A_399] : memref<3276800xi32, #tpu.memory_space<hbm>> -> memref<800xi32, #tpu.memory_space<hbm>>
        tpu.enqueue_dma source(%dma_start3A_401 : memref<800xi32, #tpu.memory_space<hbm>>) target(%arg6 : memref<800xi32, #tpu.memory_space<vmem>>) target_semaphore(%arg14 : memref<!tpu.dma_semaphore, #tpu.memory_space<semaphore_mem>>)
      } else {
      }
      %dma_start3A_391 = arith.constant 0 : i32
      %dma_start3A_392 = arith.constant 0 : i32
      %dma_start3A_393 = tpu.memref_slice %arg4[%add3A_125, %dma_start3A_391, %dma_start3A_392] : memref<16384x200x128xf32, #tpu.memory_space<hbm>> -> memref<4x200x64xf32, #tpu.memory_space<hbm>>
      %dma_start3A_394 = arith.constant 0 : i32
      %dma_start3A_395 = arith.constant 0 : i32
      %dma_start3A_396 = tpu.memref_slice %arg4[%add3A_125, %dma_start3A_394, %dma_start3A_395] : memref<16384x200x128xf32, #tpu.memory_space<hbm>> -> memref<4x200x64xf32, #tpu.memory_space<hbm>>
      tpu.enqueue_dma source(%arg8 : memref<4x200x64xf32, #tpu.memory_space<vmem>>) target(%dma_start3A_396 : memref<4x200x64xf32, #tpu.memory_space<hbm>>) target_semaphore(%arg12 : memref<!tpu.dma_semaphore, #tpu.memory_space<semaphore_mem>>)
      %scan3A_397 = arith.constant 0 : i32
      scf.yield %scan3A_397 : i32
    }
    %scan3A_100 = arith.constant 64 : i32
    %add3A_101 = arith.constant 504 : i32
    %add3A_102 = arith.addi %mul3A_2, %add3A_101 : i32
    %dma_wait3A_103 = arith.constant 0 : i32
    %dma_wait3A_104 = arith.constant 0 : i32
    %dma_wait3A_105 = tpu.memref_slice %arg4[%add3A_102, %dma_wait3A_103, %dma_wait3A_104] : memref<16384x200x128xf32, #tpu.memory_space<hbm>> -> memref<4x200x64xf32, #tpu.memory_space<hbm>>
    %dma_wait3A_106 = arith.constant 0 : i32
    %dma_wait3A_107 = arith.constant 0 : i32
    %dma_wait3A_108 = tpu.memref_slice %arg4[%add3A_102, %dma_wait3A_106, %dma_wait3A_107] : memref<16384x200x128xf32, #tpu.memory_space<hbm>> -> memref<4x200x64xf32, #tpu.memory_space<hbm>>
    tpu.wait_dma2 semaphore(%arg11 : memref<!tpu.dma_semaphore, #tpu.memory_space<semaphore_mem>>) src(%arg7 : memref<4x200x64xf32, #tpu.memory_space<vmem>>) dst(%dma_wait3A_108 : memref<4x200x64xf32, #tpu.memory_space<hbm>>)
    %add3A_109 = arith.constant 4 : i32
    %add3A_110 = arith.addi %add3A_102, %add3A_109 : i32
    %dma_wait3A_111 = arith.constant 0 : i32
    %dma_wait3A_112 = arith.constant 0 : i32
    %dma_wait3A_113 = tpu.memref_slice %arg4[%add3A_110, %dma_wait3A_111, %dma_wait3A_112] : memref<16384x200x128xf32, #tpu.memory_space<hbm>> -> memref<4x200x64xf32, #tpu.memory_space<hbm>>
    %dma_wait3A_114 = arith.constant 0 : i32
    %dma_wait3A_115 = arith.constant 0 : i32
    %dma_wait3A_116 = tpu.memref_slice %arg4[%add3A_110, %dma_wait3A_114, %dma_wait3A_115] : memref<16384x200x128xf32, #tpu.memory_space<hbm>> -> memref<4x200x64xf32, #tpu.memory_space<hbm>>
    tpu.wait_dma2 semaphore(%arg12 : memref<!tpu.dma_semaphore, #tpu.memory_space<semaphore_mem>>) src(%arg8 : memref<4x200x64xf32, #tpu.memory_space<vmem>>) dst(%dma_wait3A_116 : memref<4x200x64xf32, #tpu.memory_space<hbm>>)
    return
  }
}

</mosaic_0001>

<sc_bundles>
// kernel: kernel.3.cloned.1.call-start
scs
__scs_entry_jumppad:
0x0: {  	(pc) =	sbr.rel $0x88, $3  }
0x1: {  	(tag) =	ssettag $0x0;
	lr =	simm.s32 $0x1  }
0x2: {  	[smem:$0x3F9F] =	sst lr;
	_ =	strace $0xD0000000  }
0x3: {  	_ = 	snop  }
0x4: {  	_ = 	snop  }
0x5: {  	_ = 	snop  }
0x6: {  	_ = 	snop  }
0x7: {  	_ = 	snop  }
__scs_overlays_trampoline_lowered:
0x8: {  	[smem:$0x3FAE] =	sst s0  }
0x9: {  	[smem:$0x3FAF] =	sst s1  }
0xa: {  	[smem:$0x3FB0] =	sst s2  }
0xb: {  	[smem:$0x3FB1] =	sst s3  }
0xc: {  	[smem:$0x3FB2] =	sst s4  }
0xd: {  	[smem:$0x3FB3] =	sst s5  }
0xe: {  	[smem:$0x3FB4] =	sst s6  }
0xf: {  	[smem:$0x3FB5] =	sst s7  }
0x10: {  	[smem:$0x3FB6] =	sst s8  }
0x11: {  	[smem:$0x3FB7] =	sst s9;
	s0 =	simm.s32 @!p0 $0x0  }
0x12: {  	s1 =	sld [smem:$0x3F9D];
	s0 =	simm.s32 @p0 $0x1  }
0x13: {  	[smem:$0x3FB8] =	sst s0;
	s0 =	simm.s32 @!p1 $0x0  }
0x14: {  	s2 =	sld [smem:$0x3F9C];
	s0 =	simm.s32 @p1 $0x1  }
0x15: {  	[smem:$0x3FB9] =	sst s0;
	s0 =	simm.s32 @!p2 $0x0  }
0x16: {  	s3 =	sld [smem:$0x3FDB];
	s0 =	simm.s32 @p2 $0x1  }
0x17: {  	s4 =	simm.s32 $0x1BF5;
	[smem:$0x3FBB] =	sst s0  }
0x18: {  	s0 =	sld [smem:$0x3F9E];
	_ =	swait.ge [sflag:s4], $0x0  }
0x19: {  	s7 =	sld [smem:$0x3F9F]  }
0x1a: {  	s8 =	sadd.s32 $0xFFFFE003, lr  }
0x1b: {  	s9 =	sadd.s32 $0xFFFFFEF7, lr;
	s5 =	simm.s32 $0xFFFFFFFF;
	p2 =	slt.u32 s8, $0xFFFFF086  }
0x1c: {  	p1 =	slt.u32 s9, $0xF7A;
	s5 =	simm.s32 @!p2 $0x0  }
0x1d: {  	s5 =	simm.s32 @p1 $0x1;
	p0 =	seq.s32 s7, s2  }
0x1e: {  	s7 =	smul.u32 @!p0 $0xF7A, s2;
	p2 =	seq.s32 @!p0 s5, $0x0  }
0x1f: {  	s9 =	smul.u32 $0xF7A, s1;
	s8 =	simm.s32 @!p0 $0x1BF5;
	p2 =	por !p2, p0  }
0x20: {  	[sflag:s8] =	ssyncset.s32 @!p0 $0xFFFFF086;
	s6 =	sadd.s32 @!p0 s3, s7;
	s7 =	simm.s32 @!p0 $0x108  }
0x21: {  	s3 =	sadd.s32 s3, s9;
	s6 =	sadd.s32 @!p0 $0x88, s6;
	s7 =	simm.s32 @p2 $0x1082  }
0x22: {  	[simem:s7], [sflag:s8] =	dma.local @!p0 [hbm:s6], $0xF7A  }
0x23: {  	s9 =	sor.u32 $0xD0000000, s2;
	s6 =	simm.s32 $0x108;
	_ =	swait.ge @!p0 [sflag:s8], $0x0  }
0x24: {  	s3 =	sadd.s32 $0x88, s3;
	s6 =	simm.s32 @!p1 $0x1082;
	[sflag:s4] =	ssyncset.s32 $0xFFFFF086  }
0x25: {  	[simem:s6], [sflag:s4] =	dma.local [hbm:s3], $0xF7A  }
0x26: {  	[smem:$0x3F9F] =	sst s1;
	(tag) =	ssettag s2;
	_ =	strace s9  }
0x27: {  	s1 =	sld [smem:$0x3FAF]  }
0x28: {  	s2 =	sld [smem:$0x3FB0]  }
0x29: {  	s4 =	sld [smem:$0x3FB2]  }
0x2a: {  	p0 =	seq.s32 s5, $0x0;
	s5 =	sld [smem:$0x3FB3]  }
0x2b: {  	s6 =	sld [smem:$0x3FB4]  }
0x2c: {  	s7 =	sld [smem:$0x3FB5]  }
0x2d: {  	s3 =	simm.s32 $0x108;
	s8 =	sld [smem:$0x3FB6]  }
0x2e: {  	s3 =	simm.s32 @!p0 $0x1082;
	s9 =	sld [smem:$0x3FB7]  }
0x2f: {  	lr =	sadd.s32 s0, s3;
	s0 =	sld [smem:$0x3FAE]  }
0x30: {  	s3 =	sld [smem:$0x3FB1]  }
0x31: {  	[smem:$0x3FBA] =	sst s10  }
0x32: {  	s10 =	sld [smem:$0x3FB8];
	_ =	sdelay $0x3  }
0x33: {  	p0 =	seq.s32 s10, $0x1;
	s10 =	sld [smem:$0x3FBA];
	_ =	sdelay $0x3  }
0x34: {  	[smem:$0x3FBA] =	sst s10  }
0x35: {  	s10 =	sld [smem:$0x3FB9];
	_ =	sdelay $0x3  }
0x36: {  	p1 =	seq.s32 s10, $0x1;
	s10 =	sld [smem:$0x3FBA];
	_ =	sdelay $0x3  }
0x37: {  	[smem:$0x3FBA] =	sst s10  }
0x38: {  	s10 =	sld [smem:$0x3FBB]  }
0x39: {  	_ = 	snop;
	(pc) =	sbr.ind lr, $3  }
0x3a: {  	_ = 	snop  }
0x3b: {  	_ = 	snop  }
0x3c: {  	p2 =	seq.s32 s10, $0x1;
	s10 =	sld [smem:$0x3FBA]  }
0x3d: {  	_ =	shalt  }
0x3e: {  	_ =	shalt  }
0x3f: {  	_ =	shalt  }
0x40: {  	_ =	shalt  }
0x41: {  	_ =	shalt  }
0x42: {  	_ =	shalt  }
0x43: {  	_ =	shalt  }
0x44: {  	_ =	shalt  }
0x45: {  	_ =	shalt  }
0x46: {  	_ =	shalt  }
0x47: {  	_ =	shalt  }
0x48: {  	_ =	shalt  }
0x49: {  	_ =	shalt  }
0x4a: {  	_ =	shalt  }
0x4b: {  	_ =	shalt  }
0x4c: {  	_ =	shalt  }
0x4d: {  	_ =	shalt  }
0x4e: {  	_ =	shalt  }
0x4f: {  	_ =	shalt  }
0x50: {  	_ =	shalt  }
0x51: {  	_ =	shalt  }
0x52: {  	_ =	shalt  }
0x53: {  	_ =	shalt  }
0x54: {  	_ =	shalt  }
0x55: {  	_ =	shalt  }
0x56: {  	_ =	shalt  }
0x57: {  	_ =	shalt  }
0x58: {  	_ =	shalt  }
0x59: {  	_ =	shalt  }
0x5a: {  	_ =	shalt  }
0x5b: {  	_ =	shalt  }
0x5c: {  	_ =	shalt  }
0x5d: {  	_ =	shalt  }
0x5e: {  	_ =	shalt  }
0x5f: {  	_ =	shalt  }
0x60: {  	_ =	shalt  }
0x61: {  	_ =	shalt  }
0x62: {  	_ =	shalt  }
0x63: {  	_ =	shalt  }
0x64: {  	_ =	shalt  }
0x65: {  	_ =	shalt  }
0x66: {  	_ =	shalt  }
0x67: {  	_ =	shalt  }
0x68: {  	_ =	shalt  }
0x69: {  	_ =	shalt  }
0x6a: {  	_ =	shalt  }
0x6b: {  	_ =	shalt  }
0x6c: {  	_ =	shalt  }
0x6d: {  	_ =	shalt  }
0x6e: {  	_ =	shalt  }
0x6f: {  	_ =	shalt  }
0x70: {  	_ =	shalt  }
0x71: {  	_ =	shalt  }
0x72: {  	_ =	shalt  }
0x73: {  	_ =	shalt  }
0x74: {  	_ =	shalt  }
0x75: {  	_ =	shalt  }
0x76: {  	_ =	shalt  }
0x77: {  	_ =	shalt  }
0x78: {  	_ =	shalt  }
0x79: {  	_ =	shalt  }
0x7a: {  	_ =	shalt  }
0x7b: {  	_ =	shalt  }
0x7c: {  	_ =	shalt  }
0x7d: {  	_ =	shalt  }
0x7e: {  	_ =	shalt  }
0x7f: {  	_ =	shalt  }
0x80: {  	_ =	shalt  }
0x81: {  	_ =	shalt  }
0x82: {  	_ =	shalt  }
0x83: {  	_ =	shalt  }
0x84: {  	_ =	shalt  }
0x85: {  	_ =	shalt  }
0x86: {  	_ =	shalt  }
0x87: {  	_ =	shalt  }
.Lfunc_end0:
.L_simem_size_0:
called_computation.1_lowered:
.L_overlay_start_0:
0x88: {  	s2 =	sld [smem:$0x3FD9]  }
0x89: {  	s3 =	sld [smem:$0x3FFE];
	_ =	sdelay $0x1  }
0x8a: {  	s1 =	srdreg.scid  }
0x8b: {  	s0 =	sand.u32 $0x1, s1  }
0x8c: {  	s16 =	sshll.u32 s0, $0xA;
	s2 =	sadd.s32 s3, s2  }
0x8d: {  	s2 =	sadd.s32 s2, s16  }
0x8e: {  	[smem:$0x3FC6] =	sst s2  }
0x8f: {  	_ = 	snop  }
0x90: {  	(tm) =	ssettm $0x1  }
0x91: {  	s17 =	sld [smem:$0x3FFB];
	_ =	sdelay $0x3  }
0x92: {  	_ =	strace s17  }
0x93: {  	s2 =	sld [smem:$0x3FFC];
	_ =	sdelay $0x3  }
0x94: {  	_ =	strace s2  }
0x95: {  	s2 =	sld [smem:$0x3FFD];
	_ =	sdelay $0x3  }
0x96: {  	_ =	strace s2  }
0x97: {  	_ =	strace $0x8FFFFFFF  }
0x98: {  	s18 =	sld [smem:$0x3FDB];
	_ =	sdelay $0x1  }
0x99: {  	s19 =	simm.s32 $_scs_section_size  }
0x9a: {  	s4 =	simm.s32 $_size__tile_overlayer_lowered;
	s5 =	simm.s32 $_tile_overlayer_lowered  }
0x9b: {  	s22 =	simm.s32 $0x1BFF;
	s21 =	sshll.u32 s5, $0x1;
	s2 =	sadd.s32 s19, s18  }
0x9c: {  	s6 =	simm.s32 $0x0;
	s20 =	sshll.u32 s4, $0x1;
	s4 =	sadd.s32 s21, s2  }
0x9d: {  	[timem:s6], [sflag:s22] =	dma.local [hbm:s4], s20  }
0x9e: {  	_ =	swait.ge [sflag:s22], s20  }
0x9f: {  	s3 =	ssub.s32 $0x0, s20;
	[sflag:s22] =	ssyncset.done $0x0  }
0xa0: {  	[sflag:s22] =	ssyncadd.s32 s3;
	_ =	sdelay $0x1  }
0xa1: {  	s23 =	simm.s32 $0x1B8B  }
0xa2: {  	_ =	swait.ge [sflag:s23], $0x1  }
0xa3: {  	[sflag:s23] =	ssyncset.done $0x0  }
0xa4: {  	s25 =	simm.s32 $0x1B8E;
	s24 =	sld [smem:$0x3FFE];
	[sflag:s23] =	ssyncadd.s32 $0xFFFFFFFF  }
0xa5: {  	s26 =	simm.s32 $execute0_lowered;
	[smem:$0x3FD2] =	sst s25  }
0xa6: {  	s4 =	sshll.u32 s26, $0x1;
	_ =	strace $0x80000046;
	[dreg:$0x1] =	wrdreg $0xFFFFFFFF  }
0xa7: {  	s28 =	simm.s32 $_size_execute0_lowered;
	s2 =	sadd.s32 s2, s4;
	[dreg:$0x0] =	wrdreg $0x0  }
0xa8: {  	s4 =	sshll.u32 s28, $0x1;
	[dreg:$0x2] =	wrdreg s2  }
0xa9: {  	[dreg:$0x3] =	wrdreg s4  }
0xaa: {  	[dreg:$0x4] =	wrdreg $0xC0  }
0xab: {  	_ =	task [dreg:s6], $0x5FFFF  }
0xac: {  	[dreg:$0x1] =	wrdreg $0xFFFFFFFF  }
0xad: {  	[dreg:$0x0] =	wrdreg $0x60  }
0xae: {  	[dreg:$0x2] =	wrdreg s24  }
0xaf: {  	[dreg:$0x3] =	wrdreg $0x9  }
0xb0: {  	_ =	task.clear_ibuf [dreg:s6], $0x4FFFF;
	_ =	strace $0x90000046  }
0xb1: {  	s29 =	simm.s32 $0x9;
	_ =	strace $0x80000048  }
0xb2: {  	_ =	swait.ge [sflag:s29], $0x1  }
0xb3: {  	[sflag:s29] =	ssyncadd.s32 $0xFFFFFFFF  }
0xb4: {  	_ =	strace $0x90000048  }
0xb5: {  	_ =	sfence  }
0xb6: {  	s30 =	sld [smem:$0x0];
	_ =	sdelay $0x2  }
0xb7: {  	s31 =	sshll.u32 s1, $0xD;
	s1 =	sshrl.u32 s1, $0x2  }
0xb8: {  	s3 =	sand.u32 $0x4000, s31;
	s1 =	sadd.s32 s1, s30  }
0xb9: {  	s0 =	sor.u32 s3, s0;
	s1 =	sshll.u32 s1, $0x11  }
0xba: {  	s0 =	sor.u32 s1, s0  }
0xbb: {  	s0 =	sadd.s32 $0x8F2B, s0  }
0xbc: {  	[sflag:s0] =	ssyncadd.remote.s32 $0x1  }
0xbd: {  	_ =	sfence.sel $0xFFFF  }
0xbe: {  	[dreg:$0x0] =	wrdreg $0xFFFFFFFF;
	(pc) =	sbr.abs _section_cstart, $3  }
0xbf: {  	[dreg:$0x1] =	wrdreg $0xFFFFFFFF  }
0xc0: {  	_ =	task.clear_ibuf [dreg:s6], $0x2FFFF;
	_ =	strace $0x9FFFFFFF  }
0xc1: {  	(tm) =	ssettm $0x7FFFFFFF  }
tec
execute0_lowered:
.L_overlay_start_1:
0x0: {  	(tag) =	ssettag $0x1  }
0x1: {  	s0 =	rddreg [dreg:$0x0];
	s1 =	simm.s32 $0x0;
	s2 =	srdreg.scid  }
0x2: {  	s11 =	stileid.u32;
	s12 =	simm.s32 $0x3A0;
	s13 =	simm.s32 $0xEE40  }
0x3: {  	s14 =	simm.s32 $0x3E8;
	s15 =	simm.s32 $0x10040;
	[smem:$0x7FF] =	sst s1  }
0x4: {  	s16 =	simm.s32 $0x468;
	_ =	strace $0x80000047;
	[dreg:$0x4] =	wrdreg s12  }
0x5: {  	s17 =	simm.s32 $0x12040;
	s18 =	simm.s32 $0x4B0;
	[dreg:$0x5] =	wrdreg s13  }
0x6: {  	s19 =	simm.s32 $0x13240;
	s21 =	simm.s32 $0x530;
	[dreg:$0x6] =	wrdreg s14  }
0x7: {  	s22 =	simm.s32 $0x15240;
	s23 =	simm.s32 $0x578;
	[dreg:$0x7] =	wrdreg s15  }
0x8: {  	s24 =	simm.s32 $0x16440;
	s25 =	simm.s32 $0x5F8;
	[dreg:$0x8] =	wrdreg s16  }
0x9: {  	s26 =	simm.s32 $0x18440;
	s28 =	simm.s32 $0x6;
	[dreg:$0x9] =	wrdreg s17  }
0xa: {  	s29 =	simm.s32 $0xCE40;
	s30 =	simm.s32 $0x1;
	[dreg:$0xa] =	wrdreg s18  }
0xb: {  	s31 =	simm.s32 $0x40;
	s3 =	sadd.s32 $0x64800, s0;
	[dreg:$0xb] =	wrdreg s19  }
0xc: {  	s2 =	sand.u32 $0x1, s2;
	s4 =	sshll.u32 s11, $0x1;
	[dreg:$0xc] =	wrdreg s21  }
0xd: {  	s5 =	smul.u32 $0x1900000, s11;
	s8 =	sadd.s32 $0x800, s0;
	[dreg:$0xd] =	wrdreg s22  }
0xe: {  	s0 =	sadd.s32 $0x127E00, s0;
	s7 =	smul.u32 $0xC80000, s2;
	[dreg:$0xe] =	wrdreg s23  }
0xf: {  	s6 =	ssub.s32 $0x2, s2;
	s10 =	smul.u32 $0x19000, s2;
	[dreg:$0xf] =	wrdreg s24  }
0x10: {  	s4 =	sor.u32 s2, s4;
	s2 =	smul.u32 $0x190000, s2;
	[dreg:$0x10] =	wrdreg s25  }
0x11: {  	s12 =	simm.s32 $0x640;
	s13 =	simm.s32 $0x48;
	[dreg:$0x11] =	wrdreg s26  }
0x12: {  	s14 =	simm.s32 $0x4;
	s9 =	sshrl.u32 s6, $0x1;
	s4 =	smul.u32 $0x3200, s4  }
0x13: {  	s15 =	simm.s32 $0x0;
	s6 =	ssub.s32 s6, s9;
	s5 =	sadd.s32 s7, s5  }
0x14: {  	s4 =	sadd.s32 s8, s4;
	s7 =	sor.u32 $0x19000, s5;
	s5 =	smul.u32 $0x32000, s11  }
0x15: {  	s6 =	smax.u32 s6, $0x1;
	s11 =	smul.u32 $0x320000, s11;
	[dreg:$0x12] =	wrdreg s4  }
0x16: {  	s4 =	sadd.s32 $0x64, s4;
	s7 =	sshrl.u32 s7, $0x3;
	[dreg:$0x14] =	wrdreg s6  }
0x17: {  	[dreg:$0x13] =	wrdreg s4;
	s7 =	sadd.s32 s7, s0;
	s10 =	sadd.s32 s10, s5  }
0x18: {  	s0 =	sadd.s32 s11, s0;
	s11 =	simm.s32 $0x80;
	[dreg:$0x2] =	wrdreg s7  }
0x19: {  	s9 =	sor.u32 $0x960, s10;
	s7 =	sor.u32 $0x640, s10;
	s0 =	sadd.s32 s2, s0  }
0x1a: {  	s10 =	simm.s32 $0x5;
	s2 =	simm.s32 $0x3;
	s9 =	sshrl.u32 s9, $0x3  }
0x1b: {  	s7 =	sshrl.u32 s7, $0x3;
	[dreg:$0x3] =	wrdreg s0;
	s0 =	simm.s32 $0x2  }
0x1c: {  	s20 =	sadd.s32 s9, s8;
	s8 =	sadd.s32 s7, s8;
	s9 =	simm.s32 $0x320  }
.LBB2_1:
0x1d: {  	s4 =	rddreg [dreg:$0x12]  }
0x1e: {  	[tilespmem:s1], [sflag:$0x5] =	stream.linear.gather [hbm4b:s4+s1], $0x320, $0x38;
	[tilespmem:$0x19640] =	vst v63  }
0x1f: {  	s26 =	rddreg [dreg:$0x13]  }
0x20: {  	[tilespmem:s9], [sflag:$0x6] =	stream.linear.gather [hbm4b:s26+s1], $0x320, $0x38;
	[tilespmem:$0x19640] =	vst v63  }
0x21: {  	_ =	swait.ge [sflag:s10], $0x320  }
0x22: {  	[sflag:s10] =	ssyncset.done $0x0  }
0x23: {  	[sflag:s10] =	ssyncadd.s32 $0xFFFFFCE0  }
0x24: {  	[tilespmem:s12], [sflag:$0x1] =	stream.indirect.gather [hbm4b:s3+s11], $0x40, s1, s11, $0xb8;
	[tilespmem:$0x19640] =	vst v63  }
0x25: {  	s5 =	simm.s32 $0x2640  }
0x26: {  	[tilespmem:s5], [sflag:$0x1] =	stream.indirect.gather [hbm4b:s3+s13], $0x40, s11, s13, $0xb8;
	[tilespmem:$0x19640] =	vst v63  }
0x27: {  	s6 =	simm.s32 $0xC8;
	s5 =	simm.s32 $0x3840  }
0x28: {  	[tilespmem:s5], [sflag:$0x1] =	stream.indirect.gather [hbm4b:s3+s11], $0x40, s6, s11, $0xb8;
	[tilespmem:$0x19640] =	vst v63  }
0x29: {  	s7 =	simm.s32 $0x148;
	s16 =	simm.s32 $0x5840  }
0x2a: {  	[tilespmem:s16], [sflag:$0x1] =	stream.indirect.gather [hbm4b:s3+s13], $0x40, s7, s13, $0xb8;
	[tilespmem:$0x19640] =	vst v63  }
0x2b: {  	s17 =	simm.s32 $0x190;
	s18 =	simm.s32 $0x6A40  }
0x2c: {  	[tilespmem:s18], [sflag:$0x1] =	stream.indirect.gather [hbm4b:s3+s11], $0x40, s17, s11, $0xb8;
	[tilespmem:$0x19640] =	vst v63  }
0x2d: {  	s19 =	simm.s32 $0x210;
	s21 =	simm.s32 $0x8A40  }
0x2e: {  	[tilespmem:s21], [sflag:$0x1] =	stream.indirect.gather [hbm4b:s3+s13], $0x40, s19, s13, $0xb8;
	[tilespmem:$0x19640] =	vst v63  }
0x2f: {  	s22 =	simm.s32 $0x258;
	s23 =	simm.s32 $0x9C40;
	p0 =	por $0x1, $0x1  }
0x30: {  	[tilespmem:s23], [sflag:$0x1] =	stream.indirect.gather [hbm4b:s3+s11], $0x40, s22, s11, $0xb8;
	[tilespmem:$0x19640] =	vst v63  }
0x31: {  	s24 =	simm.s32 $0x2D8;
	s25 =	simm.s32 $0xBC40;
	s7 =	simm.s32 @!p0 $0x4  }
0x32: {  	[tilespmem:s25], [sflag:$0x1] =	stream.indirect.gather [hbm4b:s3+s13], $0x40, s24, s13, $0xb8;
	[tilespmem:$0x19640] =	vst v63  }
0x33: {  	_ =	swait.ge @!p0 [sflag:s7], $0xC800  }
0x34: {  	[sflag:s7] =	ssyncset.done @!p0 $0x0  }
0x35: {  	[sflag:s7] =	ssyncadd.s32 @!p0 $0xFFFF3800  }
0x36: {  	_ =	swait.ge [sflag:s28], $0x320  }
0x37: {  	s7 =	rddreg [dreg:$0x11]  }
0x38: {  	s16 =	rddreg [dreg:$0xf]  }
0x39: {  	s17 =	rddreg [dreg:$0x6]  }
0x3a: {  	s18 =	rddreg [dreg:$0x4]  }
0x3b: {  	s19 =	rddreg [dreg:$0x5]  }
0x3c: {  	[sflag:s28] =	ssyncset.done $0x0;
	s21 =	rddreg [dreg:$0x7]  }
0x3d: {  	s26 =	rddreg [dreg:$0x8];
	[sflag:s28] =	ssyncadd.s32 $0xFFFFFCE0  }
0x3e: {  	[tilespmem:s29], [sflag:$0x2] =	stream.indirect.gather [hbm4b:s3+s11], $0x40, s9, s11, $0xb8;
	[tilespmem:$0x19640] =	vst v63  }
0x3f: {  	s4 =	rddreg [dreg:$0x9]  }
0x40: {  	[tilespmem:s19], [sflag:$0x2] =	stream.indirect.gather [hbm4b:s3+s13], $0x40, s18, s13, $0xb8;
	[tilespmem:$0x19640] =	vst v63  }
0x41: {  	s5 =	rddreg [dreg:$0xb]  }
0x42: {  	[tilespmem:s21], [sflag:$0x2] =	stream.indirect.gather [hbm4b:s3+s11], $0x40, s17, s11, $0xb8;
	[tilespmem:$0x19640] =	vst v63  }
0x43: {  	s6 =	rddreg [dreg:$0xa]  }
0x44: {  	[tilespmem:s4], [sflag:$0x2] =	stream.indirect.gather [hbm4b:s3+s13], $0x40, s26, s13, $0xb8;
	[tilespmem:$0x19640] =	vst v63  }
0x45: {  	s22 =	rddreg [dreg:$0xd]  }
0x46: {  	[tilespmem:s5], [sflag:$0x2] =	stream.indirect.gather [hbm4b:s3+s11], $0x40, s6, s11, $0xb8;
	[tilespmem:$0x19640] =	vst v63  }
0x47: {  	s23 =	rddreg [dreg:$0xc]  }
0x48: {  	[tilespmem:s22], [sflag:$0x2] =	stream.indirect.gather [hbm4b:s3+s13], $0x40, s23, s13, $0xb8;
	[tilespmem:$0x19640] =	vst v63  }
0x49: {  	s24 =	rddreg [dreg:$0xe]  }
0x4a: {  	[tilespmem:s16], [sflag:$0x2] =	stream.indirect.gather [hbm4b:s3+s11], $0x40, s24, s11, $0xb8;
	[tilespmem:$0x19640] =	vst v63  }
0x4b: {  	s25 =	rddreg [dreg:$0x10]  }
0x4c: {  	[tilespmem:s7], [sflag:$0x2] =	stream.indirect.gather [hbm4b:s3+s13], $0x40, s25, s13, $0xb8;
	[tilespmem:$0x19640] =	vst v63  }
0x4d: {  	_ =	swait.ge [sflag:s30], $0x2000  }
0x4e: {  	[sflag:s30] =	ssyncset.done $0x0  }
0x4f: {  	[sflag:s30] =	ssyncadd.s32 $0xFFFFE000  }
0x50: {  	_ =	swait.ge [sflag:s30], $0x1200  }
0x51: {  	[sflag:s30] =	ssyncset.done $0x0  }
0x52: {  	[sflag:s30] =	ssyncadd.s32 $0xFFFFEE00  }
0x53: {  	_ =	swait.ge [sflag:s30], $0x2000  }
0x54: {  	[sflag:s30] =	ssyncset.done $0x0  }
0x55: {  	[sflag:s30] =	ssyncadd.s32 $0xFFFFE000  }
0x56: {  	_ =	swait.ge [sflag:s30], $0x1200  }
0x57: {  	[sflag:s30] =	ssyncset.done $0x0  }
0x58: {  	[sflag:s30] =	ssyncadd.s32 $0xFFFFEE00  }
0x59: {  	_ =	swait.ge [sflag:s30], $0x2000  }
0x5a: {  	[sflag:s30] =	ssyncset.done $0x0  }
0x5b: {  	[sflag:s30] =	ssyncadd.s32 $0xFFFFE000  }
0x5c: {  	_ =	swait.ge [sflag:s30], $0x1200  }
0x5d: {  	[sflag:s30] =	ssyncset.done $0x0  }
0x5e: {  	[sflag:s30] =	ssyncadd.s32 $0xFFFFEE00  }
0x5f: {  	_ =	swait.ge [sflag:s30], $0x2000  }
0x60: {  	[sflag:s30] =	ssyncset.done $0x0  }
0x61: {  	[sflag:s30] =	ssyncadd.s32 $0xFFFFE000  }
0x62: {  	_ =	swait.ge [sflag:s30], $0x1200  }
0x63: {  	s26 =	rddreg [dreg:$0x3];
	[sflag:s30] =	ssyncset.done $0x0  }
0x64: {  	p1 =	por $0x0, $0x0;
	[sflag:s30] =	ssyncadd.s32 $0xFFFFEE00;
	s7 =	sadd.s32 $0x0, s26  }
0x65: {  	[hbm4b:s7+s31] =	stream.strided.scatter [tilespmem:s12], [sflag:$0x3], $0xC800, s11, s31, $0x38;
	[tilespmem:$0x19640] =	vst v63  }
0x66: {  	s21 =	simm.s32 @!p1 $0x0;
	s7 =	simm.s32 @!p1 $0x3  }
0x67: {  	[tilespmem:s21], [sflag:$0x5] =	stream.linear.gather @!p1 [hbm4b:s8+s21], $0x320, $0x38;
	[tilespmem:$0x19640] =	vst v63  }
0x68: {  	_ =	swait.ge @!p1 [sflag:s7], $0xC800  }
0x69: {  	[sflag:s7] =	ssyncset.done @!p1 $0x0  }
0x6a: {  	[sflag:s7] =	ssyncadd.s32 @!p1 $0xFFFF3800;
	s7 =	simm.s32 @!p1 $0x5  }
0x6b: {  	_ =	swait.ge @!p1 [sflag:s7], $0x320  }
0x6c: {  	[sflag:s7] =	ssyncset.done @!p1 $0x0  }
0x6d: {  	s16 =	simm.s32 @!p1 $0x640;
	[sflag:s7] =	ssyncadd.s32 @!p1 $0xFFFFFCE0;
	s7 =	simm.s32 @!p1 $0x80  }
0x6e: {  	[tilespmem:s16], [sflag:$0x1] =	stream.indirect.gather @!p1 [hbm4b:s3+s7], $0x40, s21, s7, $0xb8;
	[tilespmem:$0x19640] =	vst v63  }
0x6f: {  	s17 =	simm.s32 @!p1 $0x2640;
	s16 =	simm.s32 @!p1 $0x48  }
0x70: {  	[tilespmem:s17], [sflag:$0x1] =	stream.indirect.gather @!p1 [hbm4b:s3+s16], $0x40, s7, s16, $0xb8;
	[tilespmem:$0x19640] =	vst v63  }
0x71: {  	s18 =	simm.s32 @!p1 $0x3840;
	s17 =	simm.s32 @!p1 $0xC8  }
0x72: {  	[tilespmem:s18], [sflag:$0x1] =	stream.indirect.gather @!p1 [hbm4b:s3+s7], $0x40, s17, s7, $0xb8;
	[tilespmem:$0x19640] =	vst v63  }
0x73: {  	s17 =	simm.s32 @!p1 $0x148;
	s18 =	simm.s32 @!p1 $0x5840  }
0x74: {  	[tilespmem:s18], [sflag:$0x1] =	stream.indirect.gather @!p1 [hbm4b:s3+s16], $0x40, s17, s16, $0xb8;
	[tilespmem:$0x19640] =	vst v63  }
0x75: {  	s17 =	simm.s32 @!p1 $0x190;
	s18 =	simm.s32 @!p1 $0x6A40  }
0x76: {  	[tilespmem:s18], [sflag:$0x1] =	stream.indirect.gather @!p1 [hbm4b:s3+s7], $0x40, s17, s7, $0xb8;
	[tilespmem:$0x19640] =	vst v63  }
0x77: {  	s17 =	simm.s32 @!p1 $0x210;
	s18 =	simm.s32 @!p1 $0x8A40  }
0x78: {  	[tilespmem:s18], [sflag:$0x1] =	stream.indirect.gather @!p1 [hbm4b:s3+s16], $0x40, s17, s16, $0xb8;
	[tilespmem:$0x19640] =	vst v63  }
0x79: {  	s17 =	simm.s32 @!p1 $0x258;
	s18 =	simm.s32 @!p1 $0x9C40  }
0x7a: {  	[tilespmem:s18], [sflag:$0x1] =	stream.indirect.gather @!p1 [hbm4b:s3+s7], $0x40, s17, s7, $0xb8;
	[tilespmem:$0x19640] =	vst v63  }
0x7b: {  	s7 =	simm.s32 @!p1 $0x2D8;
	s17 =	simm.s32 @!p1 $0xBC40  }
0x7c: {  	[tilespmem:s17], [sflag:$0x1] =	stream.indirect.gather @!p1 [hbm4b:s3+s16], $0x40, s7, s16, $0xb8;
	[tilespmem:$0x19640] =	vst v63  }
0x7d: {  	_ =	swait.ge [sflag:s0], $0x2000  }
0x7e: {  	[sflag:s0] =	ssyncset.done $0x0  }
0x7f: {  	[sflag:s0] =	ssyncadd.s32 $0xFFFFE000  }
0x80: {  	_ =	swait.ge [sflag:s0], $0x1200  }
0x81: {  	[sflag:s0] =	ssyncset.done $0x0  }
0x82: {  	[sflag:s0] =	ssyncadd.s32 $0xFFFFEE00  }
0x83: {  	_ =	swait.ge [sflag:s0], $0x2000  }
0x84: {  	[sflag:s0] =	ssyncset.done $0x0  }
0x85: {  	[sflag:s0] =	ssyncadd.s32 $0xFFFFE000  }
0x86: {  	_ =	swait.ge [sflag:s0], $0x1200  }
0x87: {  	[sflag:s0] =	ssyncset.done $0x0  }
0x88: {  	[sflag:s0] =	ssyncadd.s32 $0xFFFFEE00  }
0x89: {  	_ =	swait.ge [sflag:s0], $0x2000  }
0x8a: {  	[sflag:s0] =	ssyncset.done $0x0  }
0x8b: {  	[sflag:s0] =	ssyncadd.s32 $0xFFFFE000  }
0x8c: {  	_ =	swait.ge [sflag:s0], $0x1200  }
0x8d: {  	s19 =	smov.u32 s20;
	[sflag:s0] =	ssyncset.done $0x0  }
0x8e: {  	s18 =	sadd.s32 $0xC8, s8;
	s17 =	simm.s32 $0x6400;
	[sflag:s0] =	ssyncadd.s32 $0xFFFFEE00  }
0x8f: {  	s7 =	smov.u32 s20;
	s16 =	simm.s32 $0x0;
	_ =	swait.ge [sflag:s0], $0x2000  }
.LBB2_2:
0x90: {  	[sflag:s0] =	ssyncset.done $0x0  }
0x91: {  	[sflag:s0] =	ssyncadd.s32 $0xFFFFE000  }
0x92: {  	_ =	swait.ge [sflag:s0], $0x1200  }
0x93: {  	s22 =	smov.u32 s17;
	s24 =	simm.s32 @!p1 $0x320;
	[sflag:s0] =	ssyncset.done $0x0  }
0x94: {  	p2 =	seq.s32 s22, $0x0;
	s23 =	rddreg [dreg:$0x2];
	[sflag:s0] =	ssyncadd.s32 $0xFFFFEE00  }
0x95: {  	[tilespmem:s24], [sflag:$0x6] =	stream.linear.gather @!p1 [hbm4b:s19+s21], $0x320, $0x38;
	[tilespmem:$0x19640] =	vst v63  }
0x96: {  	s5 =	sadd.s32 s16, s23;
	s21 =	simm.s32 @!p2 $0x4  }
0x97: {  	[hbm4b:s5+s31] =	stream.strided.scatter [tilespmem:s29], [sflag:$0x4], $0xC800, s11, s31, $0x38;
	[tilespmem:$0x19640] =	vst v63  }
0x98: {  	_ =	swait.ge @!p2 [sflag:s21], $0xC800  }
0x99: {  	[sflag:s21] =	ssyncset.done @!p2 $0x0  }
0x9a: {  	[sflag:s21] =	ssyncadd.s32 @!p2 $0xFFFF3800  }
0x9b: {  	_ =	swait.ge [sflag:s28], $0x320  }
0x9c: {  	s21 =	rddreg [dreg:$0x11]  }
0x9d: {  	s16 =	smov.u32 s22;
	s22 =	rddreg [dreg:$0xf]  }
0x9e: {  	s23 =	rddreg [dreg:$0xd]  }
0x9f: {  	s24 =	rddreg [dreg:$0xb]  }
0xa0: {  	s25 =	rddreg [dreg:$0x8]  }
0xa1: {  	[sflag:s28] =	ssyncset.done $0x0;
	s26 =	rddreg [dreg:$0x6]  }
0xa2: {  	s5 =	rddreg [dreg:$0x4];
	[sflag:s28] =	ssyncadd.s32 $0xFFFFFCE0  }
0xa3: {  	[tilespmem:s29], [sflag:$0x2] =	stream.indirect.gather [hbm4b:s3+s11], $0x40, s9, s11, $0xb8;
	[tilespmem:$0x19640] =	vst v63  }
0xa4: {  	s6 =	rddreg [dreg:$0x5]  }
0xa5: {  	[tilespmem:s6], [sflag:$0x2] =	stream.indirect.gather [hbm4b:s3+s13], $0x40, s5, s13, $0xb8;
	[tilespmem:$0x19640] =	vst v63  }
0xa6: {  	s4 =	rddreg [dreg:$0x7]  }
0xa7: {  	[tilespmem:s4], [sflag:$0x2] =	stream.indirect.gather [hbm4b:s3+s11], $0x40, s26, s11, $0xb8;
	[tilespmem:$0x19640] =	vst v63  }
0xa8: {  	s6 =	rddreg [dreg:$0x9]  }
0xa9: {  	[tilespmem:s6], [sflag:$0x2] =	stream.indirect.gather [hbm4b:s3+s13], $0x40, s25, s13, $0xb8;
	[tilespmem:$0x19640] =	vst v63  }
0xaa: {  	s26 =	rddreg [dreg:$0xa]  }
0xab: {  	[tilespmem:s24], [sflag:$0x2] =	stream.indirect.gather [hbm4b:s3+s11], $0x40, s26, s11, $0xb8;
	[tilespmem:$0x19640] =	vst v63  }
0xac: {  	s6 =	rddreg [dreg:$0xc]  }
0xad: {  	[tilespmem:s23], [sflag:$0x2] =	stream.indirect.gather [hbm4b:s3+s13], $0x40, s6, s13, $0xb8;
	[tilespmem:$0x19640] =	vst v63  }
0xae: {  	s24 =	rddreg [dreg:$0xe]  }
0xaf: {  	[tilespmem:s22], [sflag:$0x2] =	stream.indirect.gather [hbm4b:s3+s11], $0x40, s24, s11, $0xb8;
	[tilespmem:$0x19640] =	vst v63  }
0xb0: {  	s25 =	rddreg [dreg:$0x10]  }
0xb1: {  	[tilespmem:s21], [sflag:$0x2] =	stream.indirect.gather [hbm4b:s3+s13], $0x40, s25, s13, $0xb8;
	[tilespmem:$0x19640] =	vst v63  }
0xb2: {  	_ =	swait.ge [sflag:s30], $0x2000  }
0xb3: {  	[sflag:s30] =	ssyncset.done $0x0  }
0xb4: {  	[sflag:s30] =	ssyncadd.s32 $0xFFFFE000  }
0xb5: {  	_ =	swait.ge [sflag:s30], $0x1200  }
0xb6: {  	[sflag:s30] =	ssyncset.done $0x0  }
0xb7: {  	[sflag:s30] =	ssyncadd.s32 $0xFFFFEE00  }
0xb8: {  	_ =	swait.ge [sflag:s30], $0x2000  }
0xb9: {  	[sflag:s30] =	ssyncset.done $0x0  }
0xba: {  	[sflag:s30] =	ssyncadd.s32 $0xFFFFE000  }
0xbb: {  	_ =	swait.ge [sflag:s30], $0x1200  }
0xbc: {  	[sflag:s30] =	ssyncset.done $0x0  }
0xbd: {  	[sflag:s30] =	ssyncadd.s32 $0xFFFFEE00  }
0xbe: {  	_ =	swait.ge [sflag:s30], $0x2000  }
0xbf: {  	[sflag:s30] =	ssyncset.done $0x0  }
0xc0: {  	[sflag:s30] =	ssyncadd.s32 $0xFFFFE000  }
0xc1: {  	_ =	swait.ge [sflag:s30], $0x1200  }
0xc2: {  	[sflag:s30] =	ssyncset.done $0x0  }
0xc3: {  	[sflag:s30] =	ssyncadd.s32 $0xFFFFEE00  }
0xc4: {  	_ =	swait.ge [sflag:s30], $0x2000  }
0xc5: {  	[sflag:s30] =	ssyncset.done $0x0  }
0xc6: {  	[sflag:s30] =	ssyncadd.s32 $0xFFFFE000  }
0xc7: {  	_ =	swait.ge [sflag:s30], $0x1200  }
0xc8: {  	s26 =	rddreg [dreg:$0x3];
	[sflag:s30] =	ssyncset.done $0x0  }
0xc9: {  	p1 =	seq.s32 s16, $0x189C00;
	[sflag:s30] =	ssyncadd.s32 $0xFFFFEE00;
	s4 =	sadd.s32 s16, s26  }
0xca: {  	[hbm4b:s4+s31] =	stream.strided.scatter [tilespmem:s12], [sflag:$0x3], $0xC800, s11, s31, $0x38;
	[tilespmem:$0x19640] =	vst v63  }
0xcb: {  	s21 =	simm.s32 @!p1 $0x0;
	s4 =	simm.s32 @!p1 $0x3  }
0xcc: {  	[tilespmem:s21], [sflag:$0x5] =	stream.linear.gather @!p1 [hbm4b:s18+s21], $0x320, $0x38;
	[tilespmem:$0x19640] =	vst v63  }
0xcd: {  	_ =	swait.ge @!p1 [sflag:s4], $0xC800  }
0xce: {  	[sflag:s4] =	ssyncset.done @!p1 $0x0  }
0xcf: {  	[sflag:s4] =	ssyncadd.s32 @!p1 $0xFFFF3800;
	s4 =	simm.s32 @!p1 $0x5  }
0xd0: {  	_ =	swait.ge @!p1 [sflag:s4], $0x320  }
0xd1: {  	[sflag:s4] =	ssyncset.done @!p1 $0x0  }
0xd2: {  	s5 =	simm.s32 @!p1 $0x640;
	[sflag:s4] =	ssyncadd.s32 @!p1 $0xFFFFFCE0;
	s4 =	simm.s32 @!p1 $0x80  }
0xd3: {  	[tilespmem:s5], [sflag:$0x1] =	stream.indirect.gather @!p1 [hbm4b:s3+s4], $0x40, s21, s4, $0xb8;
	[tilespmem:$0x19640] =	vst v63  }
0xd4: {  	s6 =	simm.s32 @!p1 $0x2640;
	s5 =	simm.s32 @!p1 $0x48  }
0xd5: {  	[tilespmem:s6], [sflag:$0x1] =	stream.indirect.gather @!p1 [hbm4b:s3+s5], $0x40, s4, s5, $0xb8;
	[tilespmem:$0x19640] =	vst v63  }
0xd6: {  	s22 =	simm.s32 @!p1 $0x3840;
	s6 =	simm.s32 @!p1 $0xC8  }
0xd7: {  	[tilespmem:s22], [sflag:$0x1] =	stream.indirect.gather @!p1 [hbm4b:s3+s4], $0x40, s6, s4, $0xb8;
	[tilespmem:$0x19640] =	vst v63  }
0xd8: {  	s6 =	simm.s32 @!p1 $0x148;
	s22 =	simm.s32 @!p1 $0x5840  }
0xd9: {  	[tilespmem:s22], [sflag:$0x1] =	stream.indirect.gather @!p1 [hbm4b:s3+s5], $0x40, s6, s5, $0xb8;
	[tilespmem:$0x19640] =	vst v63  }
0xda: {  	s6 =	simm.s32 @!p1 $0x190;
	s22 =	simm.s32 @!p1 $0x6A40  }
0xdb: {  	[tilespmem:s22], [sflag:$0x1] =	stream.indirect.gather @!p1 [hbm4b:s3+s4], $0x40, s6, s4, $0xb8;
	[tilespmem:$0x19640] =	vst v63  }
0xdc: {  	s6 =	simm.s32 @!p1 $0x210;
	s22 =	simm.s32 @!p1 $0x8A40  }
0xdd: {  	[tilespmem:s22], [sflag:$0x1] =	stream.indirect.gather @!p1 [hbm4b:s3+s5], $0x40, s6, s5, $0xb8;
	[tilespmem:$0x19640] =	vst v63  }
0xde: {  	s6 =	simm.s32 @!p1 $0x258;
	s22 =	simm.s32 @!p1 $0x9C40  }
0xdf: {  	[tilespmem:s22], [sflag:$0x1] =	stream.indirect.gather @!p1 [hbm4b:s3+s4], $0x40, s6, s4, $0xb8;
	[tilespmem:$0x19640] =	vst v63  }
0xe0: {  	s4 =	simm.s32 @!p1 $0x2D8;
	s6 =	simm.s32 @!p1 $0xBC40  }
0xe1: {  	[tilespmem:s6], [sflag:$0x1] =	stream.indirect.gather @!p1 [hbm4b:s3+s5], $0x40, s4, s5, $0xb8;
	[tilespmem:$0x19640] =	vst v63  }
0xe2: {  	_ =	swait.ge [sflag:s0], $0x2000  }
0xe3: {  	[sflag:s0] =	ssyncset.done $0x0  }
0xe4: {  	[sflag:s0] =	ssyncadd.s32 $0xFFFFE000  }
0xe5: {  	_ =	swait.ge [sflag:s0], $0x1200  }
0xe6: {  	[sflag:s0] =	ssyncset.done $0x0  }
0xe7: {  	[sflag:s0] =	ssyncadd.s32 $0xFFFFEE00  }
0xe8: {  	_ =	swait.ge [sflag:s0], $0x2000  }
0xe9: {  	[sflag:s0] =	ssyncset.done $0x0  }
0xea: {  	[sflag:s0] =	ssyncadd.s32 $0xFFFFE000  }
0xeb: {  	_ =	swait.ge [sflag:s0], $0x1200  }
0xec: {  	[sflag:s0] =	ssyncset.done $0x0  }
0xed: {  	[sflag:s0] =	ssyncadd.s32 $0xFFFFEE00  }
0xee: {  	s17 =	sadd.s32 $0x6400, s17;
	_ =	swait.ge [sflag:s0], $0x2000  }
0xef: {  	p0 =	sne.s32 s17, $0x190000;
	[sflag:s0] =	ssyncset.done $0x0  }
.Ltmp0:
0xf0: {  	[sflag:s0] =	ssyncadd.s32 $0xFFFFE000;
	(pc) =	sbr.rel @p0 .LBB2_2-.Ltmp0, $4  }
0xf1: {  	_ =	swait.ge [sflag:s0], $0x1200  }
0xf2: {  	[sflag:s0] =	ssyncset.done $0x0  }
0xf3: {  	s7 =	sadd.s32 $0xC8, s7;
	[sflag:s0] =	ssyncadd.s32 $0xFFFFEE00  }
0xf4: {  	s19 =	smov.u32 s7;
	s18 =	sadd.s32 $0xC8, s18;
	_ =	swait.ge [sflag:s0], $0x2000  }
0xf5: {  	[sflag:s0] =	ssyncset.done $0x0  }
0xf6: {  	[sflag:s0] =	ssyncadd.s32 $0xFFFFE000  }
0xf7: {  	_ =	swait.ge [sflag:s0], $0x1200  }
0xf8: {  	[sflag:s0] =	ssyncset.done $0x0  }
0xf9: {  	s5 =	simm.s32 @!p1 $0x320;
	s4 =	rddreg [dreg:$0x2];
	[sflag:s0] =	ssyncadd.s32 $0xFFFFEE00  }
0xfa: {  	[tilespmem:s5], [sflag:$0x6] =	stream.linear.gather @!p1 [hbm4b:s19+s21], $0x320, $0x38;
	[tilespmem:$0x19640] =	vst v63  }
0xfb: {  	s4 =	sadd.s32 s16, s4  }
0xfc: {  	[hbm4b:s4+s31] =	stream.strided.scatter [tilespmem:s29], [sflag:$0x4], $0xC800, s11, s31, $0x38;
	[tilespmem:$0x19640] =	vst v63  }
0xfd: {  	_ =	swait.ge [sflag:s2], $0xC800  }
0xfe: {  	[sflag:s2] =	ssyncset.done $0x0  }
0xff: {  	[sflag:s2] =	ssyncadd.s32 $0xFFFF3800  }
0x100: {  	_ =	swait.ge [sflag:s14], $0xC800  }
0x101: {  	s15 =	sadd.s32 $0x1, s15;
	s26 =	rddreg [dreg:$0x14]  }
0x102: {  	p0 =	sne.s32 s15, s26  }
.Ltmp1:
0x103: {  	_ = 	snop;
	(pc) =	sbr.rel @p0 .LBB2_1-.Ltmp1, $3  }
0x104: {  	_ =	sdelay $0x1  }
0x105: {  	[sflag:s14] =	ssyncset.done $0x0  }
0x106: {  	[sflag:s14] =	ssyncadd.s32 $0xFFFF3800  }
0x107: {  	_ =	sfence.sel $0x180000  }
0x108: {  	[bflag:$0x0] =	sbarrier.arrive $0xFFFF  }
0x109: {  	_ =	strace $0x90000047  }
0x10a: {  	s0 =	stileid.u32;
	[bflag:$0x2] =	sbarrier.arrive $0xFFFF  }
0x10b: {  	p0 =	sne.s32 s0, $0x0;
	s0 =	rddreg [dreg:$0x1]  }
0x10c: {  	s0 =	sadd.s32 @!p0 $0x100000, s0  }
0x10d: {  	[sflag:s0] =	ssyncadd.tile.s32 @!p0 $0x1;
	_ =	shalt  }
.Lfunc_end2:
_tile_overlayer_lowered:
.L_overlay_start_2:
0x10e: {  	(tag) =	ssettag $0x2  }
0x10f: {  	s0 =	rddreg [dreg:$0x0];
	s2 =	stileid.u32  }
0x110: {  	s1 =	rddreg [dreg:$0x1];
	p0 =	sne.s32 s2, $0x0  }
0x111: {  	s3 =	rddreg [dreg:$0x2];
	[bflag:$0x3] =	sbarrier.arrive $0xFFFF;
	s2 =	simm.s32 @!p0 $0x1C07  }
0x112: {  	[timem:s3], [sflag:s2] =	dma.local @!p0 [hbm:s0], s1  }
0x113: {  	s0 =	simm.s32 @!p0 $0x7  }
0x114: {  	_ =	swait.ge @!p0 [sflag:s0], s1  }
0x115: {  	s1 =	ssub.s32 @!p0 $0x0, s1;
	[sflag:s0] =	ssyncset.done @!p0 $0x0  }
0x116: {  	[sflag:s0] =	ssyncadd.s32 @!p0 s1  }
0x117: {  	[bflag:$0x3] =	sbarrier.arrive $0xFFFF  }
0x118: {  	_ =	shalt  }

// kernel: sparse-core-data-format-call.cloned.1.call-start
scs
called_computation_lowered:
.L_overlay_start_0:
0x0: {  	s2 =	sld [smem:$0x3FD9]  }
0x1: {  	s3 =	sld [smem:$0x3FFE];
	_ =	sdelay $0x1  }
0x2: {  	s1 =	srdreg.scid  }
0x3: {  	s0 =	sand.u32 $0x1, s1  }
0x4: {  	s18 =	sshll.u32 s0, $0xA;
	s2 =	sadd.s32 s3, s2  }
0x5: {  	s2 =	sadd.s32 s2, s18  }
0x6: {  	[smem:$0x3FC6] =	sst s2  }
0x7: {  	_ = 	snop  }
0x8: {  	s2 =	sld [smem:$0x3FD0];
	(tm) =	ssettm $0x1  }
0x9: {  	s19 =	sld [smem:$0x3FFB];
	_ =	sdelay $0x3  }
0xa: {  	_ =	strace s19  }
0xb: {  	s3 =	sld [smem:$0x3FFC];
	_ =	sdelay $0x3  }
0xc: {  	_ =	strace s3  }
0xd: {  	s3 =	sld [smem:$0x3FFD];
	_ =	sdelay $0x3  }
0xe: {  	_ =	strace s3  }
0xf: {  	_ =	strace $0x8FFFFFFF  }
0x10: {  	s20 =	sld [smem:$0x3FDB];
	_ =	sdelay $0x1  }
0x11: {  	s4 =	simm.s32 $_scs_section_size  }
0x12: {  	s5 =	simm.s32 $_size__tile_overlayer_lowered;
	s6 =	simm.s32 $_tile_overlayer_lowered  }
0x13: {  	s23 =	simm.s32 $0x1BFF;
	s22 =	sshll.u32 s6, $0x1;
	s3 =	sadd.s32 s4, s20  }
0x14: {  	s7 =	simm.s32 $0x0;
	s21 =	sshll.u32 s5, $0x1;
	s5 =	sadd.s32 s22, s3  }
0x15: {  	[timem:s7], [sflag:s23] =	dma.local [hbm:s5], s21  }
0x16: {  	_ =	swait.ge [sflag:s23], s21  }
0x17: {  	s4 =	ssub.s32 $0x0, s21;
	[sflag:s23] =	ssyncset.done $0x0  }
0x18: {  	[sflag:s23] =	ssyncadd.s32 s4;
	_ =	sdelay $0x1  }
0x19: {  	s24 =	simm.s32 $0x1B8B  }
0x1a: {  	_ =	swait.ge [sflag:s24], $0x1  }
0x1b: {  	[sflag:s24] =	ssyncset.done $0x0  }
0x1c: {  	s26 =	simm.s32 $0x1B8E;
	s25 =	sld [smem:$0x3FFE];
	[sflag:s24] =	ssyncadd.s32 $0xFFFFFFFF  }
0x1d: {  	s27 =	simm.s32 $execute0_lowered;
	[smem:$0x3FD2] =	sst s26  }
0x1e: {  	s5 =	sshll.u32 s27, $0x1;
	_ =	strace $0x80000049;
	[dreg:$0x1] =	wrdreg $0xFFFFFFFF  }
0x1f: {  	s28 =	simm.s32 $_size_execute0_lowered;
	s3 =	sadd.s32 s3, s5;
	[dreg:$0x0] =	wrdreg $0x0  }
0x20: {  	s5 =	sshll.u32 s28, $0x1;
	[dreg:$0x2] =	wrdreg s3  }
0x21: {  	[dreg:$0x3] =	wrdreg s5  }
0x22: {  	[dreg:$0x4] =	wrdreg $0xC0  }
0x23: {  	_ =	task [dreg:s7], $0x5FFFF  }
0x24: {  	[dreg:$0x1] =	wrdreg $0xFFFFFFFF  }
0x25: {  	[dreg:$0x0] =	wrdreg $0x60  }
0x26: {  	[dreg:$0x2] =	wrdreg s25  }
0x27: {  	[dreg:$0x3] =	wrdreg s2  }
0x28: {  	[dreg:$0x4] =	wrdreg $0x9  }
0x29: {  	_ =	task.clear_ibuf [dreg:s7], $0x5FFFF;
	_ =	strace $0x90000049  }
0x2a: {  	s29 =	simm.s32 $0x9;
	_ =	strace $0x8000004B  }
0x2b: {  	_ =	swait.ge [sflag:s29], $0x1  }
0x2c: {  	[sflag:s29] =	ssyncadd.s32 $0xFFFFFFFF  }
0x2d: {  	_ =	strace $0x9000004B  }
0x2e: {  	_ =	sfence  }
0x2f: {  	s30 =	sld [smem:$0x0];
	_ =	sdelay $0x2  }
0x30: {  	s31 =	sshll.u32 s1, $0xD;
	s1 =	sshrl.u32 s1, $0x2  }
0x31: {  	s3 =	sand.u32 $0x4000, s31;
	s1 =	sadd.s32 s1, s30  }
0x32: {  	s0 =	sor.u32 s3, s0;
	s1 =	sshll.u32 s1, $0x11  }
0x33: {  	s0 =	sor.u32 s1, s0  }
0x34: {  	s0 =	sadd.s32 $0x8F2B, s0  }
0x35: {  	[sflag:s0] =	ssyncadd.remote.s32 $0x1  }
0x36: {  	_ =	sfence.sel $0xFFFF  }
0x37: {  	[dreg:$0x0] =	wrdreg $0xFFFFFFFF;
	(pc) =	sbr.abs _section_cstart, $3  }
0x38: {  	[dreg:$0x1] =	wrdreg $0xFFFFFFFF  }
0x39: {  	_ =	task.clear_ibuf [dreg:s7], $0x2FFFF;
	_ =	strace $0x9FFFFFFF  }
0x3a: {  	(tm) =	ssettm $0x7FFFFFFF  }
0x3b: {  	_ =	shalt  }
tec
execute0_lowered:
.L_overlay_start_1:
0x0: {  	(tag) =	ssettag $0x1  }
0x1: {  	s0 =	srdreg.scid  }
0x2: {  	s1 =	sshll.u32 s0, $0x4  }
0x3: {  	s0 =	stileid.u32;
	s1 =	sand.u32 $0x10, s1  }
0x4: {  	s1 =	sor.u32 s0, s1  }
0x5: {  	s6 =	rddreg [dreg:$0x0];
	s4 =	simm.s32 $0x1;
	s2 =	sshll.u32 s1, $0x7  }
0x6: {  	s7 =	simm.s32 $0x2;
	s12 =	simm.s32 $0x0;
	s1 =	ssub.s32 $0x4000, s2  }
0x7: {  	s8 =	simm.s32 $0x20000;
	s13 =	simm.s32 $0x0;
	s3 =	sand.u32 $0xF80, s1  }
0x8: {  	s9 =	simm.s32 $0x0;
	s5 =	sshrl.u32 s1, $0xC;
	p0 =	sne.s32 s3, $0x0  }
.Ltmp0:
0x9: {  	s1 =	rddreg [dreg:$0x2];
	s4 =	simm.s32 @!p0 $0x0;
	(pc) =	sbr.rel .LBB1_1-.Ltmp0, $4  }
0xa: {  	s11 =	simm.s32 $0x0;
	s3 =	rddreg [dreg:$0x1];
	s5 =	sadd.s32 s4, s5  }
0xb: {  	_ =	strace $0x8000004A;
	s4 =	simm.s32 $0x1;
	s5 =	smul.u32 $0xC8, s5  }
0xc: {  	s6 =	sadd.s32 $0x127E00, s6;
	s10 =	smov.u32 s2;
	[sflag:s4] =	ssyncpa.u1 $0x0  }
0xd: {  	p0 =	por $0x0, $0x0;
	[sflag:s7] =	ssyncpa.u1 $0x0;
	s7 =	sor.u32 $0x1, s5  }
.LBB1_4:
0xe: {  	s16 =	sshll.u32 s13, $0x3;
	s17 =	sand.u32 $0x78, s13  }
0xf: {  	s30 =	sand.u32 $0x1F800, s13;
	s12 =	sshll.u32 s12, $0x11;
	s16 =	sand.u32 $0x3C00, s16  }
0x10: {  	[tilespmem:s15+$0x810 ss:$0x81] =	vst.msk $0xffff, v2;
	s31 =	sand.u32 $0x7, s13;
	s16 =	sor.u32 s17, s16;
	s17 =	sadd.s32 s3, s30  }
0x11: {  	[tilespmem:s15+$0x1020 ss:$0x81] =	vst.msk $0xffff, v0;
	s13 =	sshll.u32 s31, $0x12;
	s12 =	sadd.s32 s12, s17;
	s16 =	sshrl.u32 s16, $0x3  }
0x12: {  	[tilespmem:s15+$0x0 ss:$0x81] =	vst.msk $0xffff, v1;
	s13 =	sor.u32 $0x400, s13;
	s12 =	sadd.s32 s16, s12  }
0x13: {  	[hbm4b:s12+s13] =	stream.strided.scatter [tilespmem:s14], [sflag:$0x2], $0x2000, s8, s13, $0x20;
	[tilespmem:$0x8080] =	vst v63  }
.LBB1_5:
0x14: {  	s14 =	sadd.s32 $0x1, s9  }
0x15: {  	s12 =	sadd.s32 $0x1000, s10;
	s16 =	smov.u32 s10;
	p2 =	sgt.s32 s14, $0xC7  }
0x16: {  	s16 =	smov.u32 @p2 s12  }
0x17: {  	s14 =	simm.s32 @p2 $0x0;
	p2 =	sgt.s32 s16, $0x3FFF  }
0x18: {  	s16 =	smov.u32 @p2 s2;
	p2 =	sne.s32 s11, s7  }
.Ltmp1:
0x19: {  	p1 =	slt.u32 s11, $0x2;
	(pc) =	sbr.rel @!p2 .LBB1_6-.Ltmp1, $4  }
0x1a: {  	s15 =	simm.s32 @!p1 $0x2  }
0x1b: {  	s13 =	smov.u32 s10;
	p0 =	por !p0, !p0;
	_ =	swait.ge @!p1 [sflag:s15], $0x2000  }
0x1c: {  	s12 =	smov.u32 s9;
	[sflag:s15] =	ssyncset.done @!p1 $0x0;
	s9 =	smov.u32 s14  }
0x1d: {  	s11 =	sadd.s32 $0x1, s11;
	[sflag:s15] =	ssyncadd.s32 @!p1 $0xFFFFE000;
	s10 =	smov.u32 s16  }
.LBB1_1:
0x1e: {  	p1 =	sge.u32 s11, s5  }
0x1f: {  	s14 =	sand.u32 @!p1 $0x1FFFFFF, s9  }
0x20: {  	s15 =	smulhi.u32 @!p1 $0x147AE15, s14;
	_ =	sdelay $0x1  }
0x21: {  	s15 =	smul.u32 @!p1 $0xC8, s15  }
0x22: {  	s16 =	sxor.u32 @!p1 $0xFFFFFFFF, s11;
	s17 =	smul.u32 @!p1 $0xC80, s10  }
0x23: {  	s31 =	sadd.s32 $0xFFFFFFFF, s11;
	s16 =	sshll.u32 @!p1 s16, $0xD;
	s14 =	ssub.s32 @!p1 s14, s15  }
0x24: {  	s15 =	sand.u32 @!p1 $0x2000, s16;
	s16 =	sadd.s32 @!p1 s6, s17;
	s14 =	sshll.u32 @!p1 s14, $0x4  }
0x25: {  	s17 =	simm.s32 @!p1 $0x6400;
	s14 =	sadd.s32 @!p1 s14, s16;
	s16 =	simm.s32 @!p1 $0x40  }
0x26: {  	[tilespmem:s15], [sflag:$0x1] =	stream.strided.gather @!p1 [hbm4b:s14+s16], $0x2000, s17, s16, $0x38;
	[tilespmem:$0x8080] =	vst v63  }
0x27: {  	p1 =	sge.u32 s31, s5  }
.Ltmp2:
0x28: {  	_ = 	snop;
	(pc) =	sbr.rel @p1 .LBB1_5-.Ltmp2, $1  }
0x29: {  	_ =	sdelay $0x3  }
0x2a: {  	s14 =	simm.s32 $0x1  }
0x2b: {  	_ =	swait.ge [sflag:s4], $0x2000;
	s14 =	simm.s32 @!p0 $0x0  }
0x2c: {  	[sflag:s4] =	ssyncset.done $0x0;
	s15 =	sshll.u32 s14, $0xD  }
0x2d: {  	[sflag:s4] =	ssyncadd.s32 $0xFFFFE000;
	s18 =	sor.u32 $0x20, s15  }
0x2e: {  	s14 =	smul.u32 $0x8100, s14;
	v3 =	vld [tilespmem:s18+$0x10]  }
0x2f: {  	s30 =	sand.u32 $0x1, s11;
	v2 =	vld [tilespmem:s18+$0xFFFFFFF0]  }
0x30: {  	s15 =	smul.u32 $0x8100, s30;
	s14 =	sshrl.u32 s14, $0x2;
	v0 =	vld [tilespmem:s18+$0x0]  }
0x31: {  	v1 =	vld [tilespmem:s18+$0xFFFFFFE0];
	s16 =	sor.u32 $0x4000, s14  }
0x32: {  	s31 =	sshrl.u32 s15, $0x2;
	s15 =	sadd.s32 $0x0, s16  }
0x33: {  	s17 =	simm.s32 $0x4;
	s18 =	sadd.s32 $0x40, s18;
	s14 =	sor.u32 $0x4000, s31;
	[tilespmem:s15+$0x1830 ss:$0x81] =	vst.msk $0xffff, v3  }
.LBB1_3:
0x34: {  	v3 =	vld [tilespmem:s18+$0x10];
	p1 =	sne.s32 s17, $0x1FC;
	[tilespmem:s15+$0x810 ss:$0x81] =	vst.msk $0xffff, v2;
	s19 =	smov.u32 s17;
	s17 =	sadd.s32 $0x4, s17  }
.Ltmp3:
0x35: {  	v2 =	vld [tilespmem:s18+$0xFFFFFFF0];
	[tilespmem:s15+$0x1020 ss:$0x81] =	vst.msk $0xffff, v0;
	(pc) =	sbr.rel @p1 .LBB1_3-.Ltmp3, $4  }
0x36: {  	v0 =	vld [tilespmem:s18+$0x0];
	[tilespmem:s15+$0x0 ss:$0x81] =	vst.msk $0xffff, v1  }
0x37: {  	s15 =	sshra.s32 s19, $0x2;
	v1 =	vld [tilespmem:s18+$0xFFFFFFE0]  }
0x38: {  	s15 =	sadd.s32 s15, s16  }
0x39: {  	s18 =	sadd.s32 $0x40, s18;
	[tilespmem:s15+$0x1830 ss:$0x81] =	vst.msk $0xffff, v3  }
.Ltmp4:
0x3a: {  	_ = 	snop;
	(pc) =	sbr.rel .LBB1_4-.Ltmp4, $1  }
0x3b: {  	_ =	sdelay $0x3  }
.LBB1_6:
0x3c: {  	_ =	sfence.sel $0x180000  }
0x3d: {  	s2 =	simm.s32 $0x1;
	[bflag:$0x0] =	sbarrier.arrive $0xFFFF  }
0x3e: {  	s31 =	simm.s32 $0x2;
	[sflag:s2] =	ssyncpa.u1 $0x1  }
0x3f: {  	[sflag:s31] =	ssyncpa.u1 $0x1  }
0x40: {  	p0 =	sne.s32 s0, $0x0;
	_ =	strace $0x9000004A  }
0x41: {  	s0 =	sadd.s32 @!p0 $0x100000, s1;
	[bflag:$0x2] =	sbarrier.arrive $0xFFFF  }
0x42: {  	[sflag:s0] =	ssyncadd.tile.s32 @!p0 $0x1;
	_ =	shalt  }
.Lfunc_end1:
_tile_overlayer_lowered:
.L_overlay_start_2:
0x43: {  	(tag) =	ssettag $0x2  }
0x44: {  	s0 =	rddreg [dreg:$0x0];
	s2 =	stileid.u32  }
0x45: {  	s1 =	rddreg [dreg:$0x1];
	p0 =	sne.s32 s2, $0x0  }
0x46: {  	s3 =	rddreg [dreg:$0x2];
	[bflag:$0x3] =	sbarrier.arrive $0xFFFF;
	s2 =	simm.s32 @!p0 $0x1C01  }
0x47: {  	[timem:s3], [sflag:s2] =	dma.local @!p0 [hbm:s0], s1  }
0x48: {  	s0 =	simm.s32 @!p0 $0x1  }
0x49: {  	_ =	swait.ge @!p0 [sflag:s0], s1  }
0x4a: {  	s1 =	ssub.s32 @!p0 $0x0, s1;
	[sflag:s0] =	ssyncset.done @!p0 $0x0  }
0x4b: {  	[sflag:s0] =	ssyncadd.s32 @!p0 s1  }
0x4c: {  	[bflag:$0x3] =	sbarrier.arrive $0xFFFF  }
0x4d: {  	_ =	shalt  }

</sc_bundles>
